<compile_context>
chip_gen: v7x
topology: tpu7x:2x2x1
jax: 0.10.2.dev20260603
libtpu: 0.0.44.dev20260713+nightly
codegen_flags: <defaults>
</compile_context>

<pallas_src>
import functools

import jax
import jax.numpy as jnp
from jax import lax
from jax.experimental import pallas as pl
from jax.experimental.pallas import tpu as pltpu
from jax.experimental.pallas import tpu_sc as plsc

_NC = 2
_NS = 16
_NW = _NC * _NS
_BBLK = 128
_PITCH = 129


def _sc_gather_t(table, xt):
    hist, batch = xt.shape
    d_model = table.shape[1]
    mesh = plsc.VectorSubcoreMesh(core_axis_name="c", subcore_axis_name="s")

    @functools.partial(
        pl.kernel,
        mesh=mesh,
        out_type=jax.ShapeDtypeStruct((hist, d_model, batch), jnp.float32),
        scratch_types=[
            pltpu.VMEM((hist, _BBLK), jnp.int32),
            pltpu.VMEM((2, _BBLK, d_model), jnp.float32),
            pltpu.VMEM((2, d_model, _PITCH), jnp.float32),
            pltpu.SemaphoreType.DMA((2,)),
            pltpu.SemaphoreType.DMA((2,)),
        ],
        compiler_params=pltpu.CompilerParams(use_tc_tiling_on_sc=False,
                                             needs_layout_passes=False),
    )
    def k(table_hbm, xt_hbm, out_hbm, idx_v, rows_v, rows_t, gsem, ssem):
        wid = lax.axis_index("s") * _NC + lax.axis_index("c")
        col0 = wid * _BBLK
        pltpu.sync_copy(xt_hbm.at[:, pl.ds(col0, _BBLK)], idx_v)

        def fire_gather(h, s):
            pltpu.async_copy(table_hbm.at[idx_v.at[h]], rows_v.at[s],
                             gsem.at[s])

        def drain_gather(s):
            pltpu.make_async_copy(table_hbm.at[idx_v.at[0]], rows_v.at[s],
                                  gsem.at[s]).wait()

        def fire_store(h, s):
            pltpu.async_copy(rows_t.at[s, :, pl.ds(0, _BBLK)],
                             out_hbm.at[h, :, pl.ds(col0, _BBLK)],
                             ssem.at[s])

        def drain_store(s):
            pltpu.make_async_copy(rows_t.at[s, :, pl.ds(0, _BBLK)],
                                  out_hbm.at[0, :, pl.ds(col0, _BBLK)],
                                  ssem.at[s]).wait()

        iota = lax.iota(jnp.int32, 16)

        def transpose(s):
            @plsc.parallel_loop(0, _BBLK, unroll=8)
            def _(b):
                cb = jnp.full((16,), 0, jnp.int32) + b
                for dc in range(d_model // 16):
                    v = rows_v[s, b, pl.ds(dc * 16, 16)]
                    plsc.store_scatter(rows_t.at[s],
                                       [dc * 16 + iota, cb], v)

        fire_gather(0, 0)

        def outer(i, carry):
            for p in range(2):
                h = i * 2 + p
                cur, nxt = p, 1 - p

                @pl.when(h + 1 < hist)
                def _():
                    fire_gather(h + 1, nxt)

                drain_gather(cur)

                @pl.when(h >= 2)
                def _():
                    drain_store(cur)

                transpose(cur)
                fire_store(h, cur)
            return carry

        lax.fori_loop(0, hist // 2, outer, 0)
        drain_store(0)
        drain_store(1)

    return k(table, xt)


def kernel(x, weights):
    xt = jnp.transpose(x).astype(jnp.int32)
    out_t = _sc_gather_t(weights, xt)
    return jnp.transpose(out_t, (2, 0, 1))

# --- scband reference (transcript-rebuilt; emitter-appended) ---
"""Pipeline reference for scband-embedder-8933531976463 (READ-ONLY COPY).

The authoritative reference and input builder live on the scoring server;
editing this copy changes nothing except your own understanding.
"""

import jax, jax.numpy as jnp
import numpy as np

VOCAB = 1000000
D_MODEL = 64
BATCH = 4096
HIST = 200

def setup_inputs(seed: int = 0) -> dict:
    key = jax.random.key(seed)
    k_idx, k_w = jax.random.split(key)
    x = jax.random.randint(k_idx, (BATCH, HIST), 0, VOCAB, dtype=jnp.int64)
    weights = jax.random.normal(k_w, (VOCAB, D_MODEL), dtype=jnp.float32)
    return {"x": x, "weights": weights}

def reference(x, weights):
    # nn.Embedding forward: gather rows of the table by index
    return jnp.take(weights, x, axis=0)

if __name__ == "__main__":
    import jax
    _d = setup_inputs()
    print(jax.jit(kernel)(*tuple(_d.values())))

</pallas_src>

<mosaic_0001>
#map = affine_map<(d0, d1) -> (0, 0)>
#map1 = affine_map<(d0, d1) -> (0, 0, 0)>
module attributes {stable_mosaic.version = 14 : i64} {
  func.func @k(%arg0: i32, %arg1: i32, %arg2: memref<1000000x64xf32, #tpu.memory_space<hbm>>, %arg3: memref<200x4096xi32, #tpu.memory_space<hbm>>, %arg4: memref<200x64x4096xf32, #tpu.memory_space<hbm>>, %arg5: memref<200x128xi32, #tpu.memory_space<vmem>>, %arg6: memref<2x128x64xf32, #tpu.memory_space<vmem>>, %arg7: memref<2x64x129xf32, #tpu.memory_space<vmem>>, %arg8: memref<2x!tpu.dma_semaphore, #tpu.memory_space<semaphore_mem>>, %arg9: memref<2x!tpu.dma_semaphore, #tpu.memory_space<semaphore_mem>>) attributes {dimension_semantics = [#tpu.dimension_semantics<core_parallel>, #tpu.dimension_semantics<subcore_parallel>], iteration_bounds = array<i64: 2, 16>, scalar_prefetch = 0 : i64, scratch_operands = 5 : i64, tpu.core_type = #tpu.core_type<sc_vector_subcore>, window_params = [{transform_indices = #map}, {transform_indices = #map}, {transform_indices = #map1}]} {
    %mul3A = arith.constant 2 : i32
    %mul3A_0 = arith.muli %arg1, %mul3A : i32
    %add3A = arith.addi %mul3A_0, %arg0 : i32
    %mul3A_1 = arith.constant 128 : i32
    %mul3A_2 = arith.muli %add3A, %mul3A_1 : i32
    "tpu.region"() ({
      %run_scoped3A = tpu.sem_alloc : memref<!tpu.dma_semaphore, #tpu.memory_space<semaphore_mem>>
      %dma_start3A_59 = arith.constant 0 : i32
      %dma_start3A_60 = tpu.memref_slice %arg3[%dma_start3A_59, %mul3A_2] : memref<200x4096xi32, #tpu.memory_space<hbm>> -> memref<200x128xi32, #tpu.memory_space<hbm>>
      %dma_start3A_61 = arith.constant 0 : i32
      %dma_start3A_62 = tpu.memref_slice %arg3[%dma_start3A_61, %mul3A_2] : memref<200x4096xi32, #tpu.memory_space<hbm>> -> memref<200x128xi32, #tpu.memory_space<hbm>>
      tpu.enqueue_dma source(%dma_start3A_62 : memref<200x128xi32, #tpu.memory_space<hbm>>) target(%arg5 : memref<200x128xi32, #tpu.memory_space<vmem>>) target_semaphore(%run_scoped3A : memref<!tpu.dma_semaphore, #tpu.memory_space<semaphore_mem>>)
      %dma_wait3A_63 = arith.constant 0 : i32
      %dma_wait3A_64 = tpu.memref_slice %arg3[%dma_wait3A_63, %mul3A_2] : memref<200x4096xi32, #tpu.memory_space<hbm>> -> memref<200x128xi32, #tpu.memory_space<hbm>>
      %dma_wait3A_65 = arith.constant 0 : i32
      %dma_wait3A_66 = tpu.memref_slice %arg3[%dma_wait3A_65, %mul3A_2] : memref<200x4096xi32, #tpu.memory_space<hbm>> -> memref<200x128xi32, #tpu.memory_space<hbm>>
      tpu.wait_dma2 semaphore(%run_scoped3A : memref<!tpu.dma_semaphore, #tpu.memory_space<semaphore_mem>>) src(%dma_wait3A_66 : memref<200x128xi32, #tpu.memory_space<hbm>>) dst(%arg5 : memref<200x128xi32, #tpu.memory_space<vmem>>)
      tpu.yield
    }) : () -> ()
    %iota3A = tpu.iota {dimensions = array<i32: 0>} : vector<16xi32>
    %dma_start3A = arith.constant 0 : i32
    %dma_start3A_3 = arith.constant 0 : i32
    %dma_start3A_4 = arith.constant 0 : i32
    %dma_start3A_5 = arith.constant 0 : i32
    %dma_start3A_6 = arith.constant 0 : i32
    %dma_start3A_7 = tpu.memref_slice %arg6[%dma_start3A_3, %dma_start3A_5, %dma_start3A_6] : memref<2x128x64xf32, #tpu.memory_space<vmem>> -> memref<1x128x64xf32, #tpu.memory_space<vmem>>
    %dma_start3A_8 = tpu.memref_squeeze %dma_start3A_7 : memref<1x128x64xf32, #tpu.memory_space<vmem>> -> memref<128x64xf32, #tpu.memory_space<vmem>>
    %dma_start3A_9 = arith.constant 0 : i32
    %dma_start3A_10 = tpu.memref_slice %arg5[%dma_start3A, %dma_start3A_9] : memref<200x128xi32, #tpu.memory_space<vmem>> -> memref<1x128xi32, #tpu.memory_space<vmem>>
    %dma_start3A_11 = tpu.memref_squeeze %dma_start3A_10 : memref<1x128xi32, #tpu.memory_space<vmem>> -> memref<128xi32, #tpu.memory_space<vmem>>
    %dma_start3A_12 = arith.constant 0 : i32
    %dma_start3A_13 = arith.constant 0 : i32
    %dma_start3A_14 = tpu.memref_slice %arg2[%dma_start3A_12, %dma_start3A_13] : memref<1000000x64xf32, #tpu.memory_space<hbm>> -> memref<1000000x64xf32, #tpu.memory_space<hbm>>
    %dma_start3A_15 = tpu.memref_slice %arg8[%dma_start3A_4] : memref<2x!tpu.dma_semaphore, #tpu.memory_space<semaphore_mem>> -> memref<1x!tpu.dma_semaphore, #tpu.memory_space<semaphore_mem>>
    %dma_start3A_16 = tpu.memref_squeeze %dma_start3A_15 : memref<1x!tpu.dma_semaphore, #tpu.memory_space<semaphore_mem>> -> memref<!tpu.dma_semaphore, #tpu.memory_space<semaphore_mem>>
    tpu.enqueue_indirect_dma source(%dma_start3A_14 : memref<1000000x64xf32, #tpu.memory_space<hbm>>) target(%dma_start3A_8 : memref<128x64xf32, #tpu.memory_space<vmem>>) offsets(%dma_start3A_11 : memref<128xi32, #tpu.memory_space<vmem>>) semaphore(%dma_start3A_16 : memref<!tpu.dma_semaphore, #tpu.memory_space<semaphore_mem>>)
    %scan3A = arith.constant 0 : i32
    %scan3A_17 = arith.constant 0 : i32
    %scan3A_18 = arith.constant 100 : i32
    %scan3A_19 = arith.addi %scan3A_17, %scan3A_18 : i32
    %scan3A_20 = arith.constant 1 : i32
    scf.for %scan3A_59 = %scan3A_17 to %scan3A_19 step %scan3A_20  : i32 {
      %mul3A_60 = arith.constant 2 : i32
      %mul3A_61 = arith.muli %scan3A_59, %mul3A_60 : i32
      %add3A_62 = arith.constant 0 : i32
      %add3A_63 = arith.addi %mul3A_61, %add3A_62 : i32
      %add3A_64 = arith.constant 1 : i32
      %add3A_65 = arith.addi %add3A_63, %add3A_64 : i32
      %lt3A = arith.constant 200 : i32
      %lt3A_66 = arith.cmpi slt, %add3A_65, %lt3A : i32
      %convert_element_type3A = arith.extui %lt3A_66 : i1 to i32
      %cond3A = arith.constant 0 : i32
      %cond3A_67 = arith.cmpi ne, %convert_element_type3A, %cond3A : i32
      scf.if %cond3A_67 {
        %add3A_159 = arith.constant 1 : i32
        %add3A_160 = arith.addi %add3A_63, %add3A_159 : i32
        %dma_start3A_161 = arith.constant 1 : i32
        %dma_start3A_162 = arith.constant 1 : i32
        %dma_start3A_163 = arith.constant 0 : i32
        %dma_start3A_164 = arith.constant 0 : i32
        %dma_start3A_165 = tpu.memref_slice %arg6[%dma_start3A_161, %dma_start3A_163, %dma_start3A_164] : memref<2x128x64xf32, #tpu.memory_space<vmem>> -> memref<1x128x64xf32, #tpu.memory_space<vmem>>
        %dma_start3A_166 = tpu.memref_squeeze %dma_start3A_165 : memref<1x128x64xf32, #tpu.memory_space<vmem>> -> memref<128x64xf32, #tpu.memory_space<vmem>>
        %dma_start3A_167 = arith.constant 0 : i32
        %dma_start3A_168 = tpu.memref_slice %arg5[%add3A_160, %dma_start3A_167] : memref<200x128xi32, #tpu.memory_space<vmem>> -> memref<1x128xi32, #tpu.memory_space<vmem>>
        %dma_start3A_169 = tpu.memref_squeeze %dma_start3A_168 : memref<1x128xi32, #tpu.memory_space<vmem>> -> memref<128xi32, #tpu.memory_space<vmem>>
        %dma_start3A_170 = arith.constant 0 : i32
        %dma_start3A_171 = arith.constant 0 : i32
        %dma_start3A_172 = tpu.memref_slice %arg2[%dma_start3A_170, %dma_start3A_171] : memref<1000000x64xf32, #tpu.memory_space<hbm>> -> memref<1000000x64xf32, #tpu.memory_space<hbm>>
        %dma_start3A_173 = tpu.memref_slice %arg8[%dma_start3A_162] : memref<2x!tpu.dma_semaphore, #tpu.memory_space<semaphore_mem>> -> memref<1x!tpu.dma_semaphore, #tpu.memory_space<semaphore_mem>>
        %dma_start3A_174 = tpu.memref_squeeze %dma_start3A_173 : memref<1x!tpu.dma_semaphore, #tpu.memory_space<semaphore_mem>> -> memref<!tpu.dma_semaphore, #tpu.memory_space<semaphore_mem>>
        tpu.enqueue_indirect_dma source(%dma_start3A_172 : memref<1000000x64xf32, #tpu.memory_space<hbm>>) target(%dma_start3A_166 : memref<128x64xf32, #tpu.memory_space<vmem>>) offsets(%dma_start3A_169 : memref<128xi32, #tpu.memory_space<vmem>>) semaphore(%dma_start3A_174 : memref<!tpu.dma_semaphore, #tpu.memory_space<semaphore_mem>>)
      } else {
      }
      %dma_wait3A_68 = arith.constant 0 : i32
      %dma_wait3A_69 = arith.constant 0 : i32
      %dma_wait3A_70 = arith.constant 0 : i32
      %dma_wait3A_71 = arith.constant 0 : i32
      %dma_wait3A_72 = arith.constant 0 : i32
      %dma_wait3A_73 = tpu.memref_slice %arg6[%dma_wait3A_69, %dma_wait3A_71, %dma_wait3A_72] : memref<2x128x64xf32, #tpu.memory_space<vmem>> -> memref<1x128x64xf32, #tpu.memory_space<vmem>>
      %dma_wait3A_74 = tpu.memref_squeeze %dma_wait3A_73 : memref<1x128x64xf32, #tpu.memory_space<vmem>> -> memref<128x64xf32, #tpu.memory_space<vmem>>
      %dma_wait3A_75 = arith.constant 0 : i32
      %dma_wait3A_76 = tpu.memref_slice %arg5[%dma_wait3A_68, %dma_wait3A_75] : memref<200x128xi32, #tpu.memory_space<vmem>> -> memref<1x128xi32, #tpu.memory_space<vmem>>
      %dma_wait3A_77 = tpu.memref_squeeze %dma_wait3A_76 : memref<1x128xi32, #tpu.memory_space<vmem>> -> memref<128xi32, #tpu.memory_space<vmem>>
      %dma_wait3A_78 = arith.constant 0 : i32
      %dma_wait3A_79 = arith.constant 0 : i32
      %dma_wait3A_80 = tpu.memref_slice %arg2[%dma_wait3A_78, %dma_wait3A_79] : memref<1000000x64xf32, #tpu.memory_space<hbm>> -> memref<1000000x64xf32, #tpu.memory_space<hbm>>
      %dma_wait3A_81 = tpu.memref_slice %arg8[%dma_wait3A_70] : memref<2x!tpu.dma_semaphore, #tpu.memory_space<semaphore_mem>> -> memref<1x!tpu.dma_semaphore, #tpu.memory_space<semaphore_mem>>
      %dma_wait3A_82 = tpu.memref_squeeze %dma_wait3A_81 : memref<1x!tpu.dma_semaphore, #tpu.memory_space<semaphore_mem>> -> memref<!tpu.dma_semaphore, #tpu.memory_space<semaphore_mem>>
      tpu.wait_indirect_dma semaphore(%dma_wait3A_82 : memref<!tpu.dma_semaphore, #tpu.memory_space<semaphore_mem>>) src(%dma_wait3A_80 : memref<1000000x64xf32, #tpu.memory_space<hbm>>) dst(%dma_wait3A_74 : memref<128x64xf32, #tpu.memory_space<vmem>>)
      %ge3A = arith.constant 2 : i32
      %ge3A_83 = arith.cmpi sge, %add3A_63, %ge3A : i32
      %convert_element_type3A_84 = arith.extui %ge3A_83 : i1 to i32
      %cond3A_85 = arith.constant 0 : i32
      %cond3A_86 = arith.cmpi ne, %convert_element_type3A_84, %cond3A_85 : i32
      scf.if %cond3A_86 {
        %dma_wait3A_159 = arith.constant 0 : i32
        %dma_wait3A_160 = arith.constant 0 : i32
        %dma_wait3A_161 = arith.constant 0 : i32
        %dma_wait3A_162 = arith.constant 0 : i32
        %dma_wait3A_163 = arith.constant 0 : i32
        %dma_wait3A_164 = tpu.memref_slice %arg7[%dma_wait3A_159, %dma_wait3A_162, %dma_wait3A_163] : memref<2x64x129xf32, #tpu.memory_space<vmem>> -> memref<1x64x128xf32, #tpu.memory_space<vmem>>
        %dma_wait3A_165 = tpu.memref_squeeze %dma_wait3A_164 : memref<1x64x128xf32, #tpu.memory_space<vmem>> -> memref<64x128xf32, #tpu.memory_space<vmem>>
        %dma_wait3A_166 = arith.constant 0 : i32
        %dma_wait3A_167 = tpu.memref_slice %arg4[%dma_wait3A_160, %dma_wait3A_166, %mul3A_2] : memref<200x64x4096xf32, #tpu.memory_space<hbm>> -> memref<1x64x128xf32, #tpu.memory_space<hbm>>
        %dma_wait3A_168 = tpu.memref_squeeze %dma_wait3A_167 : memref<1x64x128xf32, #tpu.memory_space<hbm>> -> memref<64x128xf32, #tpu.memory_space<hbm>>
        %dma_wait3A_169 = tpu.memref_slice %arg9[%dma_wait3A_161] : memref<2x!tpu.dma_semaphore, #tpu.memory_space<semaphore_mem>> -> memref<1x!tpu.dma_semaphore, #tpu.memory_space<semaphore_mem>>
        %dma_wait3A_170 = tpu.memref_squeeze %dma_wait3A_169 : memref<1x!tpu.dma_semaphore, #tpu.memory_space<semaphore_mem>> -> memref<!tpu.dma_semaphore, #tpu.memory_space<semaphore_mem>>
        %dma_wait3A_171 = arith.constant 0 : i32
        %dma_wait3A_172 = tpu.memref_slice %arg4[%dma_wait3A_160, %dma_wait3A_171, %mul3A_2] : memref<200x64x4096xf32, #tpu.memory_space<hbm>> -> memref<1x64x128xf32, #tpu.memory_space<hbm>>
        %dma_wait3A_173 = tpu.memref_squeeze %dma_wait3A_172 : memref<1x64x128xf32, #tpu.memory_space<hbm>> -> memref<64x128xf32, #tpu.memory_space<hbm>>
        %dma_wait3A_174 = arith.constant 0 : i32
        %dma_wait3A_175 = arith.constant 0 : i32
        %dma_wait3A_176 = tpu.memref_slice %arg7[%dma_wait3A_159, %dma_wait3A_174, %dma_wait3A_175] : memref<2x64x129xf32, #tpu.memory_space<vmem>> -> memref<1x64x128xf32, #tpu.memory_space<vmem>>
        %dma_wait3A_177 = tpu.memref_squeeze %dma_wait3A_176 : memref<1x64x128xf32, #tpu.memory_space<vmem>> -> memref<64x128xf32, #tpu.memory_space<vmem>>
        tpu.wait_dma2 semaphore(%dma_wait3A_170 : memref<!tpu.dma_semaphore, #tpu.memory_space<semaphore_mem>>) src(%dma_wait3A_177 : memref<64x128xf32, #tpu.memory_space<vmem>>) dst(%dma_wait3A_173 : memref<64x128xf32, #tpu.memory_space<hbm>>)
      } else {
      }
      %parallel_loop3A = arith.constant 0 : i32
      %parallel_loop3A_87 = arith.constant 128 : i32
      %parallel_loop3A_88 = arith.constant 1 : i32
      scf.for %parallel_loop3A_159 = %parallel_loop3A to %parallel_loop3A_87 step %parallel_loop3A_88  : i32 {
        %parallel_loop3A_160 = arith.constant 0 : i32
        %parallel_loop3A_161 = vector.broadcast %parallel_loop3A_160 : i32 to vector<16xi32>
        %parallel_loop3A_162 = vector.broadcast %parallel_loop3A_159 : i32 to vector<16xi32>
        %parallel_loop3A_163 = arith.addi %parallel_loop3A_161, %parallel_loop3A_162 : vector<16xi32>
        %parallel_loop3A_164 = arith.constant 0 : i32
        %parallel_loop3A_165 = arith.index_cast %parallel_loop3A_164 : i32 to index
        %parallel_loop3A_166 = arith.index_cast %parallel_loop3A_159 : i32 to index
        %parallel_loop3A_167 = arith.constant 0 : index
        %parallel_loop3A_168 = tpu.vector_load %arg6[%parallel_loop3A_165, %parallel_loop3A_166, %parallel_loop3A_167] {strides = array<i32>} : memref<2x128x64xf32, #tpu.memory_space<vmem>>, vector<16xf32>,
        %parallel_loop3A_169 = arith.constant 0 : i32
        %parallel_loop3A_170 = vector.broadcast %parallel_loop3A_169 : i32 to vector<16xi32>
        %parallel_loop3A_171 = arith.addi %parallel_loop3A_170, %iota3A : vector<16xi32>
        %parallel_loop3A_172 = arith.constant 0 : i32
        %parallel_loop3A_173 = arith.constant 0 : i32
        %parallel_loop3A_174 = arith.constant 0 : i32
        %parallel_loop3A_175 = tpu.memref_slice %arg7[%parallel_loop3A_172, %parallel_loop3A_173, %parallel_loop3A_174] : memref<2x64x129xf32, #tpu.memory_space<vmem>> -> memref<1x64x129xf32, #tpu.memory_space<vmem>>
        %parallel_loop3A_176 = tpu.memref_squeeze %parallel_loop3A_175 : memref<1x64x129xf32, #tpu.memory_space<vmem>> -> memref<64x129xf32, #tpu.memory_space<vmem>>
        tpu.vector_store_idx %parallel_loop3A_176[%parallel_loop3A_171, %parallel_loop3A_163], %parallel_loop3A_168 : memref<64x129xf32, #tpu.memory_space<vmem>>[vector<16xi32>, vector<16xi32>], vector<16xf32>,
        %parallel_loop3A_177 = arith.constant 0 : i32
        %parallel_loop3A_178 = arith.index_cast %parallel_loop3A_177 : i32 to index
        %parallel_loop3A_179 = arith.index_cast %parallel_loop3A_159 : i32 to index
        %parallel_loop3A_180 = arith.constant 16 : index
        %parallel_loop3A_181 = tpu.vector_load %arg6[%parallel_loop3A_178, %parallel_loop3A_179, %parallel_loop3A_180] {strides = array<i32>} : memref<2x128x64xf32, #tpu.memory_space<vmem>>, vector<16xf32>,
        %parallel_loop3A_182 = arith.constant 16 : i32
        %parallel_loop3A_183 = vector.broadcast %parallel_loop3A_182 : i32 to vector<16xi32>
        %parallel_loop3A_184 = arith.addi %parallel_loop3A_183, %iota3A : vector<16xi32>
        %parallel_loop3A_185 = arith.constant 0 : i32
        %parallel_loop3A_186 = arith.constant 0 : i32
        %parallel_loop3A_187 = arith.constant 0 : i32
        %parallel_loop3A_188 = tpu.memref_slice %arg7[%parallel_loop3A_185, %parallel_loop3A_186, %parallel_loop3A_187] : memref<2x64x129xf32, #tpu.memory_space<vmem>> -> memref<1x64x129xf32, #tpu.memory_space<vmem>>
        %parallel_loop3A_189 = tpu.memref_squeeze %parallel_loop3A_188 : memref<1x64x129xf32, #tpu.memory_space<vmem>> -> memref<64x129xf32, #tpu.memory_space<vmem>>
        tpu.vector_store_idx %parallel_loop3A_189[%parallel_loop3A_184, %parallel_loop3A_163], %parallel_loop3A_181 : memref<64x129xf32, #tpu.memory_space<vmem>>[vector<16xi32>, vector<16xi32>], vector<16xf32>,
        %parallel_loop3A_190 = arith.constant 0 : i32
        %parallel_loop3A_191 = arith.index_cast %parallel_loop3A_190 : i32 to index
        %parallel_loop3A_192 = arith.index_cast %parallel_loop3A_159 : i32 to index
        %parallel_loop3A_193 = arith.constant 32 : index
        %parallel_loop3A_194 = tpu.vector_load %arg6[%parallel_loop3A_191, %parallel_loop3A_192, %parallel_loop3A_193] {strides = array<i32>} : memref<2x128x64xf32, #tpu.memory_space<vmem>>, vector<16xf32>,
        %parallel_loop3A_195 = arith.constant 32 : i32
        %parallel_loop3A_196 = vector.broadcast %parallel_loop3A_195 : i32 to vector<16xi32>
        %parallel_loop3A_197 = arith.addi %parallel_loop3A_196, %iota3A : vector<16xi32>
        %parallel_loop3A_198 = arith.constant 0 : i32
        %parallel_loop3A_199 = arith.constant 0 : i32
        %parallel_loop3A_200 = arith.constant 0 : i32
        %parallel_loop3A_201 = tpu.memref_slice %arg7[%parallel_loop3A_198, %parallel_loop3A_199, %parallel_loop3A_200] : memref<2x64x129xf32, #tpu.memory_space<vmem>> -> memref<1x64x129xf32, #tpu.memory_space<vmem>>
        %parallel_loop3A_202 = tpu.memref_squeeze %parallel_loop3A_201 : memref<1x64x129xf32, #tpu.memory_space<vmem>> -> memref<64x129xf32, #tpu.memory_space<vmem>>
        tpu.vector_store_idx %parallel_loop3A_202[%parallel_loop3A_197, %parallel_loop3A_163], %parallel_loop3A_194 : memref<64x129xf32, #tpu.memory_space<vmem>>[vector<16xi32>, vector<16xi32>], vector<16xf32>,
        %parallel_loop3A_203 = arith.constant 0 : i32
        %parallel_loop3A_204 = arith.index_cast %parallel_loop3A_203 : i32 to index
        %parallel_loop3A_205 = arith.index_cast %parallel_loop3A_159 : i32 to index
        %parallel_loop3A_206 = arith.constant 48 : index
        %parallel_loop3A_207 = tpu.vector_load %arg6[%parallel_loop3A_204, %parallel_loop3A_205, %parallel_loop3A_206] {strides = array<i32>} : memref<2x128x64xf32, #tpu.memory_space<vmem>>, vector<16xf32>,
        %parallel_loop3A_208 = arith.constant 48 : i32
        %parallel_loop3A_209 = vector.broadcast %parallel_loop3A_208 : i32 to vector<16xi32>
        %parallel_loop3A_210 = arith.addi %parallel_loop3A_209, %iota3A : vector<16xi32>
        %parallel_loop3A_211 = arith.constant 0 : i32
        %parallel_loop3A_212 = arith.constant 0 : i32
        %parallel_loop3A_213 = arith.constant 0 : i32
        %parallel_loop3A_214 = tpu.memref_slice %arg7[%parallel_loop3A_211, %parallel_loop3A_212, %parallel_loop3A_213] : memref<2x64x129xf32, #tpu.memory_space<vmem>> -> memref<1x64x129xf32, #tpu.memory_space<vmem>>
        %parallel_loop3A_215 = tpu.memref_squeeze %parallel_loop3A_214 : memref<1x64x129xf32, #tpu.memory_space<vmem>> -> memref<64x129xf32, #tpu.memory_space<vmem>>
        tpu.vector_store_idx %parallel_loop3A_215[%parallel_loop3A_210, %parallel_loop3A_163], %parallel_loop3A_207 : memref<64x129xf32, #tpu.memory_space<vmem>>[vector<16xi32>, vector<16xi32>], vector<16xf32>,
      } {sc.loop_unroll_factor = 8 : i64, sc.parallel_access}
      %dma_start3A_89 = arith.constant 0 : i32
      %dma_start3A_90 = arith.constant 0 : i32
      %dma_start3A_91 = arith.constant 0 : i32
      %dma_start3A_92 = arith.constant 0 : i32
      %dma_start3A_93 = tpu.memref_slice %arg7[%dma_start3A_89, %dma_start3A_91, %dma_start3A_92] : memref<2x64x129xf32, #tpu.memory_space<vmem>> -> memref<1x64x128xf32, #tpu.memory_space<vmem>>
      %dma_start3A_94 = tpu.memref_squeeze %dma_start3A_93 : memref<1x64x128xf32, #tpu.memory_space<vmem>> -> memref<64x128xf32, #tpu.memory_space<vmem>>
      %dma_start3A_95 = arith.constant 0 : i32
      %dma_start3A_96 = tpu.memref_slice %arg4[%add3A_63, %dma_start3A_95, %mul3A_2] : memref<200x64x4096xf32, #tpu.memory_space<hbm>> -> memref<1x64x128xf32, #tpu.memory_space<hbm>>
      %dma_start3A_97 = tpu.memref_squeeze %dma_start3A_96 : memref<1x64x128xf32, #tpu.memory_space<hbm>> -> memref<64x128xf32, #tpu.memory_space<hbm>>
      %dma_start3A_98 = tpu.memref_slice %arg9[%dma_start3A_90] : memref<2x!tpu.dma_semaphore, #tpu.memory_space<semaphore_mem>> -> memref<1x!tpu.dma_semaphore, #tpu.memory_space<semaphore_mem>>
      %dma_start3A_99 = tpu.memref_squeeze %dma_start3A_98 : memref<1x!tpu.dma_semaphore, #tpu.memory_space<semaphore_mem>> -> memref<!tpu.dma_semaphore, #tpu.memory_space<semaphore_mem>>
      %dma_start3A_100 = arith.constant 0 : i32
      %dma_start3A_101 = tpu.memref_slice %arg4[%add3A_63, %dma_start3A_100, %mul3A_2] : memref<200x64x4096xf32, #tpu.memory_space<hbm>> -> memref<1x64x128xf32, #tpu.memory_space<hbm>>
      %dma_start3A_102 = tpu.memref_squeeze %dma_start3A_101 : memref<1x64x128xf32, #tpu.memory_space<hbm>> -> memref<64x128xf32, #tpu.memory_space<hbm>>
      %dma_start3A_103 = arith.constant 0 : i32
      %dma_start3A_104 = arith.constant 0 : i32
      %dma_start3A_105 = tpu.memref_slice %arg7[%dma_start3A_89, %dma_start3A_103, %dma_start3A_104] : memref<2x64x129xf32, #tpu.memory_space<vmem>> -> memref<1x64x128xf32, #tpu.memory_space<vmem>>
      %dma_start3A_106 = tpu.memref_squeeze %dma_start3A_105 : memref<1x64x128xf32, #tpu.memory_space<vmem>> -> memref<64x128xf32, #tpu.memory_space<vmem>>
      tpu.enqueue_dma source(%dma_start3A_106 : memref<64x128xf32, #tpu.memory_space<vmem>>) target(%dma_start3A_102 : memref<64x128xf32, #tpu.memory_space<hbm>>) target_semaphore(%dma_start3A_99 : memref<!tpu.dma_semaphore, #tpu.memory_space<semaphore_mem>>)
      %mul3A_107 = arith.constant 2 : i32
      %mul3A_108 = arith.muli %scan3A_59, %mul3A_107 : i32
      %add3A_109 = arith.constant 1 : i32
      %add3A_110 = arith.addi %mul3A_108, %add3A_109 : i32
      %add3A_111 = arith.constant 1 : i32
      %add3A_112 = arith.addi %add3A_110, %add3A_111 : i32
      %lt3A_113 = arith.constant 200 : i32
      %lt3A_114 = arith.cmpi slt, %add3A_112, %lt3A_113 : i32
      %convert_element_type3A_115 = arith.extui %lt3A_114 : i1 to i32
      %cond3A_116 = arith.constant 0 : i32
      %cond3A_117 = arith.cmpi ne, %convert_element_type3A_115, %cond3A_116 : i32
      scf.if %cond3A_117 {
        %add3A_159 = arith.constant 1 : i32
        %add3A_160 = arith.addi %add3A_110, %add3A_159 : i32
        %dma_start3A_161 = arith.constant 0 : i32
        %dma_start3A_162 = arith.constant 0 : i32
        %dma_start3A_163 = arith.constant 0 : i32
        %dma_start3A_164 = arith.constant 0 : i32
        %dma_start3A_165 = tpu.memref_slice %arg6[%dma_start3A_161, %dma_start3A_163, %dma_start3A_164] : memref<2x128x64xf32, #tpu.memory_space<vmem>> -> memref<1x128x64xf32, #tpu.memory_space<vmem>>
        %dma_start3A_166 = tpu.memref_squeeze %dma_start3A_165 : memref<1x128x64xf32, #tpu.memory_space<vmem>> -> memref<128x64xf32, #tpu.memory_space<vmem>>
        %dma_start3A_167 = arith.constant 0 : i32
        %dma_start3A_168 = tpu.memref_slice %arg5[%add3A_160, %dma_start3A_167] : memref<200x128xi32, #tpu.memory_space<vmem>> -> memref<1x128xi32, #tpu.memory_space<vmem>>
        %dma_start3A_169 = tpu.memref_squeeze %dma_start3A_168 : memref<1x128xi32, #tpu.memory_space<vmem>> -> memref<128xi32, #tpu.memory_space<vmem>>
        %dma_start3A_170 = arith.constant 0 : i32
        %dma_start3A_171 = arith.constant 0 : i32
        %dma_start3A_172 = tpu.memref_slice %arg2[%dma_start3A_170, %dma_start3A_171] : memref<1000000x64xf32, #tpu.memory_space<hbm>> -> memref<1000000x64xf32, #tpu.memory_space<hbm>>
        %dma_start3A_173 = tpu.memref_slice %arg8[%dma_start3A_162] : memref<2x!tpu.dma_semaphore, #tpu.memory_space<semaphore_mem>> -> memref<1x!tpu.dma_semaphore, #tpu.memory_space<semaphore_mem>>
        %dma_start3A_174 = tpu.memref_squeeze %dma_start3A_173 : memref<1x!tpu.dma_semaphore, #tpu.memory_space<semaphore_mem>> -> memref<!tpu.dma_semaphore, #tpu.memory_space<semaphore_mem>>
        tpu.enqueue_indirect_dma source(%dma_start3A_172 : memref<1000000x64xf32, #tpu.memory_space<hbm>>) target(%dma_start3A_166 : memref<128x64xf32, #tpu.memory_space<vmem>>) offsets(%dma_start3A_169 : memref<128xi32, #tpu.memory_space<vmem>>) semaphore(%dma_start3A_174 : memref<!tpu.dma_semaphore, #tpu.memory_space<semaphore_mem>>)
      } else {
      }
      %dma_wait3A_118 = arith.constant 0 : i32
      %dma_wait3A_119 = arith.constant 1 : i32
      %dma_wait3A_120 = arith.constant 1 : i32
      %dma_wait3A_121 = arith.constant 0 : i32
      %dma_wait3A_122 = arith.constant 0 : i32
      %dma_wait3A_123 = tpu.memref_slice %arg6[%dma_wait3A_119, %dma_wait3A_121, %dma_wait3A_122] : memref<2x128x64xf32, #tpu.memory_space<vmem>> -> memref<1x128x64xf32, #tpu.memory_space<vmem>>
      %dma_wait3A_124 = tpu.memref_squeeze %dma_wait3A_123 : memref<1x128x64xf32, #tpu.memory_space<vmem>> -> memref<128x64xf32, #tpu.memory_space<vmem>>
      %dma_wait3A_125 = arith.constant 0 : i32
      %dma_wait3A_126 = tpu.memref_slice %arg5[%dma_wait3A_118, %dma_wait3A_125] : memref<200x128xi32, #tpu.memory_space<vmem>> -> memref<1x128xi32, #tpu.memory_space<vmem>>
      %dma_wait3A_127 = tpu.memref_squeeze %dma_wait3A_126 : memref<1x128xi32, #tpu.memory_space<vmem>> -> memref<128xi32, #tpu.memory_space<vmem>>
      %dma_wait3A_128 = arith.constant 0 : i32
      %dma_wait3A_129 = arith.constant 0 : i32
      %dma_wait3A_130 = tpu.memref_slice %arg2[%dma_wait3A_128, %dma_wait3A_129] : memref<1000000x64xf32, #tpu.memory_space<hbm>> -> memref<1000000x64xf32, #tpu.memory_space<hbm>>
      %dma_wait3A_131 = tpu.memref_slice %arg8[%dma_wait3A_120] : memref<2x!tpu.dma_semaphore, #tpu.memory_space<semaphore_mem>> -> memref<1x!tpu.dma_semaphore, #tpu.memory_space<semaphore_mem>>
      %dma_wait3A_132 = tpu.memref_squeeze %dma_wait3A_131 : memref<1x!tpu.dma_semaphore, #tpu.memory_space<semaphore_mem>> -> memref<!tpu.dma_semaphore, #tpu.memory_space<semaphore_mem>>
      tpu.wait_indirect_dma semaphore(%dma_wait3A_132 : memref<!tpu.dma_semaphore, #tpu.memory_space<semaphore_mem>>) src(%dma_wait3A_130 : memref<1000000x64xf32, #tpu.memory_space<hbm>>) dst(%dma_wait3A_124 : memref<128x64xf32, #tpu.memory_space<vmem>>)
      %ge3A_133 = arith.constant 2 : i32
      %ge3A_134 = arith.cmpi sge, %add3A_110, %ge3A_133 : i32
      %convert_element_type3A_135 = arith.extui %ge3A_134 : i1 to i32
      %cond3A_136 = arith.constant 0 : i32
      %cond3A_137 = arith.cmpi ne, %convert_element_type3A_135, %cond3A_136 : i32
      scf.if %cond3A_137 {
        %dma_wait3A_159 = arith.constant 1 : i32
        %dma_wait3A_160 = arith.constant 0 : i32
        %dma_wait3A_161 = arith.constant 1 : i32
        %dma_wait3A_162 = arith.constant 0 : i32
        %dma_wait3A_163 = arith.constant 0 : i32
        %dma_wait3A_164 = tpu.memref_slice %arg7[%dma_wait3A_159, %dma_wait3A_162, %dma_wait3A_163] : memref<2x64x129xf32, #tpu.memory_space<vmem>> -> memref<1x64x128xf32, #tpu.memory_space<vmem>>
        %dma_wait3A_165 = tpu.memref_squeeze %dma_wait3A_164 : memref<1x64x128xf32, #tpu.memory_space<vmem>> -> memref<64x128xf32, #tpu.memory_space<vmem>>
        %dma_wait3A_166 = arith.constant 0 : i32
        %dma_wait3A_167 = tpu.memref_slice %arg4[%dma_wait3A_160, %dma_wait3A_166, %mul3A_2] : memref<200x64x4096xf32, #tpu.memory_space<hbm>> -> memref<1x64x128xf32, #tpu.memory_space<hbm>>
        %dma_wait3A_168 = tpu.memref_squeeze %dma_wait3A_167 : memref<1x64x128xf32, #tpu.memory_space<hbm>> -> memref<64x128xf32, #tpu.memory_space<hbm>>
        %dma_wait3A_169 = tpu.memref_slice %arg9[%dma_wait3A_161] : memref<2x!tpu.dma_semaphore, #tpu.memory_space<semaphore_mem>> -> memref<1x!tpu.dma_semaphore, #tpu.memory_space<semaphore_mem>>
        %dma_wait3A_170 = tpu.memref_squeeze %dma_wait3A_169 : memref<1x!tpu.dma_semaphore, #tpu.memory_space<semaphore_mem>> -> memref<!tpu.dma_semaphore, #tpu.memory_space<semaphore_mem>>
        %dma_wait3A_171 = arith.constant 0 : i32
        %dma_wait3A_172 = tpu.memref_slice %arg4[%dma_wait3A_160, %dma_wait3A_171, %mul3A_2] : memref<200x64x4096xf32, #tpu.memory_space<hbm>> -> memref<1x64x128xf32, #tpu.memory_space<hbm>>
        %dma_wait3A_173 = tpu.memref_squeeze %dma_wait3A_172 : memref<1x64x128xf32, #tpu.memory_space<hbm>> -> memref<64x128xf32, #tpu.memory_space<hbm>>
        %dma_wait3A_174 = arith.constant 0 : i32
        %dma_wait3A_175 = arith.constant 0 : i32
        %dma_wait3A_176 = tpu.memref_slice %arg7[%dma_wait3A_159, %dma_wait3A_174, %dma_wait3A_175] : memref<2x64x129xf32, #tpu.memory_space<vmem>> -> memref<1x64x128xf32, #tpu.memory_space<vmem>>
        %dma_wait3A_177 = tpu.memref_squeeze %dma_wait3A_176 : memref<1x64x128xf32, #tpu.memory_space<vmem>> -> memref<64x128xf32, #tpu.memory_space<vmem>>
        tpu.wait_dma2 semaphore(%dma_wait3A_170 : memref<!tpu.dma_semaphore, #tpu.memory_space<semaphore_mem>>) src(%dma_wait3A_177 : memref<64x128xf32, #tpu.memory_space<vmem>>) dst(%dma_wait3A_173 : memref<64x128xf32, #tpu.memory_space<hbm>>)
      } else {
      }
      %parallel_loop3A_138 = arith.constant 0 : i32
      %parallel_loop3A_139 = arith.constant 128 : i32
      %parallel_loop3A_140 = arith.constant 1 : i32
      scf.for %parallel_loop3A_159 = %parallel_loop3A_138 to %parallel_loop3A_139 step %parallel_loop3A_140  : i32 {
        %parallel_loop3A_160 = arith.constant 0 : i32
        %parallel_loop3A_161 = vector.broadcast %parallel_loop3A_160 : i32 to vector<16xi32>
        %parallel_loop3A_162 = vector.broadcast %parallel_loop3A_159 : i32 to vector<16xi32>
        %parallel_loop3A_163 = arith.addi %parallel_loop3A_161, %parallel_loop3A_162 : vector<16xi32>
        %parallel_loop3A_164 = arith.constant 1 : i32
        %parallel_loop3A_165 = arith.index_cast %parallel_loop3A_164 : i32 to index
        %parallel_loop3A_166 = arith.index_cast %parallel_loop3A_159 : i32 to index
        %parallel_loop3A_167 = arith.constant 0 : index
        %parallel_loop3A_168 = tpu.vector_load %arg6[%parallel_loop3A_165, %parallel_loop3A_166, %parallel_loop3A_167] {strides = array<i32>} : memref<2x128x64xf32, #tpu.memory_space<vmem>>, vector<16xf32>,
        %parallel_loop3A_169 = arith.constant 0 : i32
        %parallel_loop3A_170 = vector.broadcast %parallel_loop3A_169 : i32 to vector<16xi32>
        %parallel_loop3A_171 = arith.addi %parallel_loop3A_170, %iota3A : vector<16xi32>
        %parallel_loop3A_172 = arith.constant 1 : i32
        %parallel_loop3A_173 = arith.constant 0 : i32
        %parallel_loop3A_174 = arith.constant 0 : i32
        %parallel_loop3A_175 = tpu.memref_slice %arg7[%parallel_loop3A_172, %parallel_loop3A_173, %parallel_loop3A_174] : memref<2x64x129xf32, #tpu.memory_space<vmem>> -> memref<1x64x129xf32, #tpu.memory_space<vmem>>
        %parallel_loop3A_176 = tpu.memref_squeeze %parallel_loop3A_175 : memref<1x64x129xf32, #tpu.memory_space<vmem>> -> memref<64x129xf32, #tpu.memory_space<vmem>>
        tpu.vector_store_idx %parallel_loop3A_176[%parallel_loop3A_171, %parallel_loop3A_163], %parallel_loop3A_168 : memref<64x129xf32, #tpu.memory_space<vmem>>[vector<16xi32>, vector<16xi32>], vector<16xf32>,
        %parallel_loop3A_177 = arith.constant 1 : i32
        %parallel_loop3A_178 = arith.index_cast %parallel_loop3A_177 : i32 to index
        %parallel_loop3A_179 = arith.index_cast %parallel_loop3A_159 : i32 to index
        %parallel_loop3A_180 = arith.constant 16 : index
        %parallel_loop3A_181 = tpu.vector_load %arg6[%parallel_loop3A_178, %parallel_loop3A_179, %parallel_loop3A_180] {strides = array<i32>} : memref<2x128x64xf32, #tpu.memory_space<vmem>>, vector<16xf32>,
        %parallel_loop3A_182 = arith.constant 16 : i32
        %parallel_loop3A_183 = vector.broadcast %parallel_loop3A_182 : i32 to vector<16xi32>
        %parallel_loop3A_184 = arith.addi %parallel_loop3A_183, %iota3A : vector<16xi32>
        %parallel_loop3A_185 = arith.constant 1 : i32
        %parallel_loop3A_186 = arith.constant 0 : i32
        %parallel_loop3A_187 = arith.constant 0 : i32
        %parallel_loop3A_188 = tpu.memref_slice %arg7[%parallel_loop3A_185, %parallel_loop3A_186, %parallel_loop3A_187] : memref<2x64x129xf32, #tpu.memory_space<vmem>> -> memref<1x64x129xf32, #tpu.memory_space<vmem>>
        %parallel_loop3A_189 = tpu.memref_squeeze %parallel_loop3A_188 : memref<1x64x129xf32, #tpu.memory_space<vmem>> -> memref<64x129xf32, #tpu.memory_space<vmem>>
        tpu.vector_store_idx %parallel_loop3A_189[%parallel_loop3A_184, %parallel_loop3A_163], %parallel_loop3A_181 : memref<64x129xf32, #tpu.memory_space<vmem>>[vector<16xi32>, vector<16xi32>], vector<16xf32>,
        %parallel_loop3A_190 = arith.constant 1 : i32
        %parallel_loop3A_191 = arith.index_cast %parallel_loop3A_190 : i32 to index
        %parallel_loop3A_192 = arith.index_cast %parallel_loop3A_159 : i32 to index
        %parallel_loop3A_193 = arith.constant 32 : index
        %parallel_loop3A_194 = tpu.vector_load %arg6[%parallel_loop3A_191, %parallel_loop3A_192, %parallel_loop3A_193] {strides = array<i32>} : memref<2x128x64xf32, #tpu.memory_space<vmem>>, vector<16xf32>,
        %parallel_loop3A_195 = arith.constant 32 : i32
        %parallel_loop3A_196 = vector.broadcast %parallel_loop3A_195 : i32 to vector<16xi32>
        %parallel_loop3A_197 = arith.addi %parallel_loop3A_196, %iota3A : vector<16xi32>
        %parallel_loop3A_198 = arith.constant 1 : i32
        %parallel_loop3A_199 = arith.constant 0 : i32
        %parallel_loop3A_200 = arith.constant 0 : i32
        %parallel_loop3A_201 = tpu.memref_slice %arg7[%parallel_loop3A_198, %parallel_loop3A_199, %parallel_loop3A_200] : memref<2x64x129xf32, #tpu.memory_space<vmem>> -> memref<1x64x129xf32, #tpu.memory_space<vmem>>
        %parallel_loop3A_202 = tpu.memref_squeeze %parallel_loop3A_201 : memref<1x64x129xf32, #tpu.memory_space<vmem>> -> memref<64x129xf32, #tpu.memory_space<vmem>>
        tpu.vector_store_idx %parallel_loop3A_202[%parallel_loop3A_197, %parallel_loop3A_163], %parallel_loop3A_194 : memref<64x129xf32, #tpu.memory_space<vmem>>[vector<16xi32>, vector<16xi32>], vector<16xf32>,
        %parallel_loop3A_203 = arith.constant 1 : i32
        %parallel_loop3A_204 = arith.index_cast %parallel_loop3A_203 : i32 to index
        %parallel_loop3A_205 = arith.index_cast %parallel_loop3A_159 : i32 to index
        %parallel_loop3A_206 = arith.constant 48 : index
        %parallel_loop3A_207 = tpu.vector_load %arg6[%parallel_loop3A_204, %parallel_loop3A_205, %parallel_loop3A_206] {strides = array<i32>} : memref<2x128x64xf32, #tpu.memory_space<vmem>>, vector<16xf32>,
        %parallel_loop3A_208 = arith.constant 48 : i32
        %parallel_loop3A_209 = vector.broadcast %parallel_loop3A_208 : i32 to vector<16xi32>
        %parallel_loop3A_210 = arith.addi %parallel_loop3A_209, %iota3A : vector<16xi32>
        %parallel_loop3A_211 = arith.constant 1 : i32
        %parallel_loop3A_212 = arith.constant 0 : i32
        %parallel_loop3A_213 = arith.constant 0 : i32
        %parallel_loop3A_214 = tpu.memref_slice %arg7[%parallel_loop3A_211, %parallel_loop3A_212, %parallel_loop3A_213] : memref<2x64x129xf32, #tpu.memory_space<vmem>> -> memref<1x64x129xf32, #tpu.memory_space<vmem>>
        %parallel_loop3A_215 = tpu.memref_squeeze %parallel_loop3A_214 : memref<1x64x129xf32, #tpu.memory_space<vmem>> -> memref<64x129xf32, #tpu.memory_space<vmem>>
        tpu.vector_store_idx %parallel_loop3A_215[%parallel_loop3A_210, %parallel_loop3A_163], %parallel_loop3A_207 : memref<64x129xf32, #tpu.memory_space<vmem>>[vector<16xi32>, vector<16xi32>], vector<16xf32>,
      } {sc.loop_unroll_factor = 8 : i64, sc.parallel_access}
      %dma_start3A_141 = arith.constant 1 : i32
      %dma_start3A_142 = arith.constant 1 : i32
      %dma_start3A_143 = arith.constant 0 : i32
      %dma_start3A_144 = arith.constant 0 : i32
      %dma_start3A_145 = tpu.memref_slice %arg7[%dma_start3A_141, %dma_start3A_143, %dma_start3A_144] : memref<2x64x129xf32, #tpu.memory_space<vmem>> -> memref<1x64x128xf32, #tpu.memory_space<vmem>>
      %dma_start3A_146 = tpu.memref_squeeze %dma_start3A_145 : memref<1x64x128xf32, #tpu.memory_space<vmem>> -> memref<64x128xf32, #tpu.memory_space<vmem>>
      %dma_start3A_147 = arith.constant 0 : i32
      %dma_start3A_148 = tpu.memref_slice %arg4[%add3A_110, %dma_start3A_147, %mul3A_2] : memref<200x64x4096xf32, #tpu.memory_space<hbm>> -> memref<1x64x128xf32, #tpu.memory_space<hbm>>
      %dma_start3A_149 = tpu.memref_squeeze %dma_start3A_148 : memref<1x64x128xf32, #tpu.memory_space<hbm>> -> memref<64x128xf32, #tpu.memory_space<hbm>>
      %dma_start3A_150 = tpu.memref_slice %arg9[%dma_start3A_142] : memref<2x!tpu.dma_semaphore, #tpu.memory_space<semaphore_mem>> -> memref<1x!tpu.dma_semaphore, #tpu.memory_space<semaphore_mem>>
      %dma_start3A_151 = tpu.memref_squeeze %dma_start3A_150 : memref<1x!tpu.dma_semaphore, #tpu.memory_space<semaphore_mem>> -> memref<!tpu.dma_semaphore, #tpu.memory_space<semaphore_mem>>
      %dma_start3A_152 = arith.constant 0 : i32
      %dma_start3A_153 = tpu.memref_slice %arg4[%add3A_110, %dma_start3A_152, %mul3A_2] : memref<200x64x4096xf32, #tpu.memory_space<hbm>> -> memref<1x64x128xf32, #tpu.memory_space<hbm>>
      %dma_start3A_154 = tpu.memref_squeeze %dma_start3A_153 : memref<1x64x128xf32, #tpu.memory_space<hbm>> -> memref<64x128xf32, #tpu.memory_space<hbm>>
      %dma_start3A_155 = arith.constant 0 : i32
      %dma_start3A_156 = arith.constant 0 : i32
      %dma_start3A_157 = tpu.memref_slice %arg7[%dma_start3A_141, %dma_start3A_155, %dma_start3A_156] : memref<2x64x129xf32, #tpu.memory_space<vmem>> -> memref<1x64x128xf32, #tpu.memory_space<vmem>>
      %dma_start3A_158 = tpu.memref_squeeze %dma_start3A_157 : memref<1x64x128xf32, #tpu.memory_space<vmem>> -> memref<64x128xf32, #tpu.memory_space<vmem>>
      tpu.enqueue_dma source(%dma_start3A_158 : memref<64x128xf32, #tpu.memory_space<vmem>>) target(%dma_start3A_154 : memref<64x128xf32, #tpu.memory_space<hbm>>) target_semaphore(%dma_start3A_151 : memref<!tpu.dma_semaphore, #tpu.memory_space<semaphore_mem>>)
    }
    %scan3A_21 = arith.constant 100 : i32
    %dma_wait3A = arith.constant 0 : i32
    %dma_wait3A_22 = arith.constant 0 : i32
    %dma_wait3A_23 = arith.constant 0 : i32
    %dma_wait3A_24 = arith.constant 0 : i32
    %dma_wait3A_25 = arith.constant 0 : i32
    %dma_wait3A_26 = tpu.memref_slice %arg7[%dma_wait3A, %dma_wait3A_24, %dma_wait3A_25] : memref<2x64x129xf32, #tpu.memory_space<vmem>> -> memref<1x64x128xf32, #tpu.memory_space<vmem>>
    %dma_wait3A_27 = tpu.memref_squeeze %dma_wait3A_26 : memref<1x64x128xf32, #tpu.memory_space<vmem>> -> memref<64x128xf32, #tpu.memory_space<vmem>>
    %dma_wait3A_28 = arith.constant 0 : i32
    %dma_wait3A_29 = tpu.memref_slice %arg4[%dma_wait3A_22, %dma_wait3A_28, %mul3A_2] : memref<200x64x4096xf32, #tpu.memory_space<hbm>> -> memref<1x64x128xf32, #tpu.memory_space<hbm>>
    %dma_wait3A_30 = tpu.memref_squeeze %dma_wait3A_29 : memref<1x64x128xf32, #tpu.memory_space<hbm>> -> memref<64x128xf32, #tpu.memory_space<hbm>>
    %dma_wait3A_31 = tpu.memref_slice %arg9[%dma_wait3A_23] : memref<2x!tpu.dma_semaphore, #tpu.memory_space<semaphore_mem>> -> memref<1x!tpu.dma_semaphore, #tpu.memory_space<semaphore_mem>>
    %dma_wait3A_32 = tpu.memref_squeeze %dma_wait3A_31 : memref<1x!tpu.dma_semaphore, #tpu.memory_space<semaphore_mem>> -> memref<!tpu.dma_semaphore, #tpu.memory_space<semaphore_mem>>
    %dma_wait3A_33 = arith.constant 0 : i32
    %dma_wait3A_34 = tpu.memref_slice %arg4[%dma_wait3A_22, %dma_wait3A_33, %mul3A_2] : memref<200x64x4096xf32, #tpu.memory_space<hbm>> -> memref<1x64x128xf32, #tpu.memory_space<hbm>>
    %dma_wait3A_35 = tpu.memref_squeeze %dma_wait3A_34 : memref<1x64x128xf32, #tpu.memory_space<hbm>> -> memref<64x128xf32, #tpu.memory_space<hbm>>
    %dma_wait3A_36 = arith.constant 0 : i32
    %dma_wait3A_37 = arith.constant 0 : i32
    %dma_wait3A_38 = tpu.memref_slice %arg7[%dma_wait3A, %dma_wait3A_36, %dma_wait3A_37] : memref<2x64x129xf32, #tpu.memory_space<vmem>> -> memref<1x64x128xf32, #tpu.memory_space<vmem>>
    %dma_wait3A_39 = tpu.memref_squeeze %dma_wait3A_38 : memref<1x64x128xf32, #tpu.memory_space<vmem>> -> memref<64x128xf32, #tpu.memory_space<vmem>>
    tpu.wait_dma2 semaphore(%dma_wait3A_32 : memref<!tpu.dma_semaphore, #tpu.memory_space<semaphore_mem>>) src(%dma_wait3A_39 : memref<64x128xf32, #tpu.memory_space<vmem>>) dst(%dma_wait3A_35 : memref<64x128xf32, #tpu.memory_space<hbm>>)
    %dma_wait3A_40 = arith.constant 1 : i32
    %dma_wait3A_41 = arith.constant 0 : i32
    %dma_wait3A_42 = arith.constant 1 : i32
    %dma_wait3A_43 = arith.constant 0 : i32
    %dma_wait3A_44 = arith.constant 0 : i32
    %dma_wait3A_45 = tpu.memref_slice %arg7[%dma_wait3A_40, %dma_wait3A_43, %dma_wait3A_44] : memref<2x64x129xf32, #tpu.memory_space<vmem>> -> memref<1x64x128xf32, #tpu.memory_space<vmem>>
    %dma_wait3A_46 = tpu.memref_squeeze %dma_wait3A_45 : memref<1x64x128xf32, #tpu.memory_space<vmem>> -> memref<64x128xf32, #tpu.memory_space<vmem>>
    %dma_wait3A_47 = arith.constant 0 : i32
    %dma_wait3A_48 = tpu.memref_slice %arg4[%dma_wait3A_41, %dma_wait3A_47, %mul3A_2] : memref<200x64x4096xf32, #tpu.memory_space<hbm>> -> memref<1x64x128xf32, #tpu.memory_space<hbm>>
    %dma_wait3A_49 = tpu.memref_squeeze %dma_wait3A_48 : memref<1x64x128xf32, #tpu.memory_space<hbm>> -> memref<64x128xf32, #tpu.memory_space<hbm>>
    %dma_wait3A_50 = tpu.memref_slice %arg9[%dma_wait3A_42] : memref<2x!tpu.dma_semaphore, #tpu.memory_space<semaphore_mem>> -> memref<1x!tpu.dma_semaphore, #tpu.memory_space<semaphore_mem>>
    %dma_wait3A_51 = tpu.memref_squeeze %dma_wait3A_50 : memref<1x!tpu.dma_semaphore, #tpu.memory_space<semaphore_mem>> -> memref<!tpu.dma_semaphore, #tpu.memory_space<semaphore_mem>>
    %dma_wait3A_52 = arith.constant 0 : i32
    %dma_wait3A_53 = tpu.memref_slice %arg4[%dma_wait3A_41, %dma_wait3A_52, %mul3A_2] : memref<200x64x4096xf32, #tpu.memory_space<hbm>> -> memref<1x64x128xf32, #tpu.memory_space<hbm>>
    %dma_wait3A_54 = tpu.memref_squeeze %dma_wait3A_53 : memref<1x64x128xf32, #tpu.memory_space<hbm>> -> memref<64x128xf32, #tpu.memory_space<hbm>>
    %dma_wait3A_55 = arith.constant 0 : i32
    %dma_wait3A_56 = arith.constant 0 : i32
    %dma_wait3A_57 = tpu.memref_slice %arg7[%dma_wait3A_40, %dma_wait3A_55, %dma_wait3A_56] : memref<2x64x129xf32, #tpu.memory_space<vmem>> -> memref<1x64x128xf32, #tpu.memory_space<vmem>>
    %dma_wait3A_58 = tpu.memref_squeeze %dma_wait3A_57 : memref<1x64x128xf32, #tpu.memory_space<vmem>> -> memref<64x128xf32, #tpu.memory_space<vmem>>
    tpu.wait_dma2 semaphore(%dma_wait3A_51 : memref<!tpu.dma_semaphore, #tpu.memory_space<semaphore_mem>>) src(%dma_wait3A_58 : memref<64x128xf32, #tpu.memory_space<vmem>>) dst(%dma_wait3A_54 : memref<64x128xf32, #tpu.memory_space<hbm>>)
    return
  }
}

</mosaic_0001>

<sc_bundles>
// kernel: kernel.3.cloned.1.call-start
scs
__scs_entry_jumppad:
0x0: {  	(pc) =	sbr.rel $0x88, $3  }
0x1: {  	(tag) =	ssettag $0x0;
	lr =	simm.s32 $0x1  }
0x2: {  	[smem:$0x3F9F] =	sst lr;
	_ =	strace $0xD0000000  }
0x3: {  	_ = 	snop  }
0x4: {  	_ = 	snop  }
0x5: {  	_ = 	snop  }
0x6: {  	_ = 	snop  }
0x7: {  	_ = 	snop  }
__scs_overlays_trampoline_lowered:
0x8: {  	[smem:$0x3FAE] =	sst s0  }
0x9: {  	[smem:$0x3FAF] =	sst s1  }
0xa: {  	[smem:$0x3FB0] =	sst s2  }
0xb: {  	[smem:$0x3FB1] =	sst s3  }
0xc: {  	[smem:$0x3FB2] =	sst s4  }
0xd: {  	[smem:$0x3FB3] =	sst s5  }
0xe: {  	[smem:$0x3FB4] =	sst s6  }
0xf: {  	[smem:$0x3FB5] =	sst s7  }
0x10: {  	[smem:$0x3FB6] =	sst s8  }
0x11: {  	[smem:$0x3FB7] =	sst s9;
	s0 =	simm.s32 @!p0 $0x0  }
0x12: {  	s1 =	sld [smem:$0x3F9D];
	s0 =	simm.s32 @p0 $0x1  }
0x13: {  	[smem:$0x3FB8] =	sst s0;
	s0 =	simm.s32 @!p1 $0x0  }
0x14: {  	s2 =	sld [smem:$0x3F9C];
	s0 =	simm.s32 @p1 $0x1  }
0x15: {  	[smem:$0x3FB9] =	sst s0;
	s0 =	simm.s32 @!p2 $0x0  }
0x16: {  	s3 =	sld [smem:$0x3FDB];
	s0 =	simm.s32 @p2 $0x1  }
0x17: {  	s4 =	simm.s32 $0x1BF5;
	[smem:$0x3FBB] =	sst s0  }
0x18: {  	s0 =	sld [smem:$0x3F9E];
	_ =	swait.ge [sflag:s4], $0x0  }
0x19: {  	s7 =	sld [smem:$0x3F9F]  }
0x1a: {  	s8 =	sadd.s32 $0xFFFFE003, lr  }
0x1b: {  	s9 =	sadd.s32 $0xFFFFFEF7, lr;
	s5 =	simm.s32 $0xFFFFFFFF;
	p2 =	slt.u32 s8, $0xFFFFF086  }
0x1c: {  	p1 =	slt.u32 s9, $0xF7A;
	s5 =	simm.s32 @!p2 $0x0  }
0x1d: {  	s5 =	simm.s32 @p1 $0x1;
	p0 =	seq.s32 s7, s2  }
0x1e: {  	s7 =	smul.u32 @!p0 $0xF7A, s2;
	p2 =	seq.s32 @!p0 s5, $0x0  }
0x1f: {  	s9 =	smul.u32 $0xF7A, s1;
	s8 =	simm.s32 @!p0 $0x1BF5;
	p2 =	por !p2, p0  }
0x20: {  	[sflag:s8] =	ssyncset.s32 @!p0 $0xFFFFF086;
	s6 =	sadd.s32 @!p0 s3, s7;
	s7 =	simm.s32 @!p0 $0x108  }
0x21: {  	s3 =	sadd.s32 s3, s9;
	s6 =	sadd.s32 @!p0 $0x88, s6;
	s7 =	simm.s32 @p2 $0x1082  }
0x22: {  	[simem:s7], [sflag:s8] =	dma.local @!p0 [hbm:s6], $0xF7A  }
0x23: {  	s9 =	sor.u32 $0xD0000000, s2;
	s6 =	simm.s32 $0x108;
	_ =	swait.ge @!p0 [sflag:s8], $0x0  }
0x24: {  	s3 =	sadd.s32 $0x88, s3;
	s6 =	simm.s32 @!p1 $0x1082;
	[sflag:s4] =	ssyncset.s32 $0xFFFFF086  }
0x25: {  	[simem:s6], [sflag:s4] =	dma.local [hbm:s3], $0xF7A  }
0x26: {  	[smem:$0x3F9F] =	sst s1;
	(tag) =	ssettag s2;
	_ =	strace s9  }
0x27: {  	s1 =	sld [smem:$0x3FAF]  }
0x28: {  	s2 =	sld [smem:$0x3FB0]  }
0x29: {  	s4 =	sld [smem:$0x3FB2]  }
0x2a: {  	p0 =	seq.s32 s5, $0x0;
	s5 =	sld [smem:$0x3FB3]  }
0x2b: {  	s6 =	sld [smem:$0x3FB4]  }
0x2c: {  	s7 =	sld [smem:$0x3FB5]  }
0x2d: {  	s3 =	simm.s32 $0x108;
	s8 =	sld [smem:$0x3FB6]  }
0x2e: {  	s3 =	simm.s32 @!p0 $0x1082;
	s9 =	sld [smem:$0x3FB7]  }
0x2f: {  	lr =	sadd.s32 s0, s3;
	s0 =	sld [smem:$0x3FAE]  }
0x30: {  	s3 =	sld [smem:$0x3FB1]  }
0x31: {  	[smem:$0x3FBA] =	sst s10  }
0x32: {  	s10 =	sld [smem:$0x3FB8];
	_ =	sdelay $0x3  }
0x33: {  	p0 =	seq.s32 s10, $0x1;
	s10 =	sld [smem:$0x3FBA];
	_ =	sdelay $0x3  }
0x34: {  	[smem:$0x3FBA] =	sst s10  }
0x35: {  	s10 =	sld [smem:$0x3FB9];
	_ =	sdelay $0x3  }
0x36: {  	p1 =	seq.s32 s10, $0x1;
	s10 =	sld [smem:$0x3FBA];
	_ =	sdelay $0x3  }
0x37: {  	[smem:$0x3FBA] =	sst s10  }
0x38: {  	s10 =	sld [smem:$0x3FBB]  }
0x39: {  	_ = 	snop;
	(pc) =	sbr.ind lr, $3  }
0x3a: {  	_ = 	snop  }
0x3b: {  	_ = 	snop  }
0x3c: {  	p2 =	seq.s32 s10, $0x1;
	s10 =	sld [smem:$0x3FBA]  }
0x3d: {  	_ =	shalt  }
0x3e: {  	_ =	shalt  }
0x3f: {  	_ =	shalt  }
0x40: {  	_ =	shalt  }
0x41: {  	_ =	shalt  }
0x42: {  	_ =	shalt  }
0x43: {  	_ =	shalt  }
0x44: {  	_ =	shalt  }
0x45: {  	_ =	shalt  }
0x46: {  	_ =	shalt  }
0x47: {  	_ =	shalt  }
0x48: {  	_ =	shalt  }
0x49: {  	_ =	shalt  }
0x4a: {  	_ =	shalt  }
0x4b: {  	_ =	shalt  }
0x4c: {  	_ =	shalt  }
0x4d: {  	_ =	shalt  }
0x4e: {  	_ =	shalt  }
0x4f: {  	_ =	shalt  }
0x50: {  	_ =	shalt  }
0x51: {  	_ =	shalt  }
0x52: {  	_ =	shalt  }
0x53: {  	_ =	shalt  }
0x54: {  	_ =	shalt  }
0x55: {  	_ =	shalt  }
0x56: {  	_ =	shalt  }
0x57: {  	_ =	shalt  }
0x58: {  	_ =	shalt  }
0x59: {  	_ =	shalt  }
0x5a: {  	_ =	shalt  }
0x5b: {  	_ =	shalt  }
0x5c: {  	_ =	shalt  }
0x5d: {  	_ =	shalt  }
0x5e: {  	_ =	shalt  }
0x5f: {  	_ =	shalt  }
0x60: {  	_ =	shalt  }
0x61: {  	_ =	shalt  }
0x62: {  	_ =	shalt  }
0x63: {  	_ =	shalt  }
0x64: {  	_ =	shalt  }
0x65: {  	_ =	shalt  }
0x66: {  	_ =	shalt  }
0x67: {  	_ =	shalt  }
0x68: {  	_ =	shalt  }
0x69: {  	_ =	shalt  }
0x6a: {  	_ =	shalt  }
0x6b: {  	_ =	shalt  }
0x6c: {  	_ =	shalt  }
0x6d: {  	_ =	shalt  }
0x6e: {  	_ =	shalt  }
0x6f: {  	_ =	shalt  }
0x70: {  	_ =	shalt  }
0x71: {  	_ =	shalt  }
0x72: {  	_ =	shalt  }
0x73: {  	_ =	shalt  }
0x74: {  	_ =	shalt  }
0x75: {  	_ =	shalt  }
0x76: {  	_ =	shalt  }
0x77: {  	_ =	shalt  }
0x78: {  	_ =	shalt  }
0x79: {  	_ =	shalt  }
0x7a: {  	_ =	shalt  }
0x7b: {  	_ =	shalt  }
0x7c: {  	_ =	shalt  }
0x7d: {  	_ =	shalt  }
0x7e: {  	_ =	shalt  }
0x7f: {  	_ =	shalt  }
0x80: {  	_ =	shalt  }
0x81: {  	_ =	shalt  }
0x82: {  	_ =	shalt  }
0x83: {  	_ =	shalt  }
0x84: {  	_ =	shalt  }
0x85: {  	_ =	shalt  }
0x86: {  	_ =	shalt  }
0x87: {  	_ =	shalt  }
.Lfunc_end0:
.L_simem_size_0:
called_computation_lowered:
.L_overlay_start_0:
0x88: {  	s2 =	sld [smem:$0x3FD9]  }
0x89: {  	s3 =	sld [smem:$0x3FFE];
	_ =	sdelay $0x1  }
0x8a: {  	s1 =	srdreg.scid  }
0x8b: {  	s0 =	sand.u32 $0x1, s1  }
0x8c: {  	s17 =	sshll.u32 s0, $0xA;
	s2 =	sadd.s32 s3, s2  }
0x8d: {  	s2 =	sadd.s32 s2, s17  }
0x8e: {  	[smem:$0x3FC6] =	sst s2  }
0x8f: {  	_ = 	snop  }
0x90: {  	s2 =	sld [smem:$0x3FD0];
	(tm) =	ssettm $0x1  }
0x91: {  	s18 =	sld [smem:$0x3FFB];
	_ =	sdelay $0x3  }
0x92: {  	_ =	strace s18  }
0x93: {  	s3 =	sld [smem:$0x3FFC];
	_ =	sdelay $0x3  }
0x94: {  	_ =	strace s3  }
0x95: {  	s3 =	sld [smem:$0x3FFD];
	_ =	sdelay $0x3  }
0x96: {  	_ =	strace s3  }
0x97: {  	_ =	strace $0x8FFFFFFF  }
0x98: {  	s19 =	sld [smem:$0x3FDB];
	_ =	sdelay $0x1  }
0x99: {  	s4 =	simm.s32 $_scs_section_size  }
0x9a: {  	s5 =	simm.s32 $_size__tile_overlayer_lowered;
	s6 =	simm.s32 $_tile_overlayer_lowered  }
0x9b: {  	s22 =	simm.s32 $0x1BFF;
	s21 =	sshll.u32 s6, $0x1;
	s3 =	sadd.s32 s4, s19  }
0x9c: {  	s7 =	simm.s32 $0x0;
	s20 =	sshll.u32 s5, $0x1;
	s5 =	sadd.s32 s21, s3  }
0x9d: {  	[timem:s7], [sflag:s22] =	dma.local [hbm:s5], s20  }
0x9e: {  	_ =	swait.ge [sflag:s22], s20  }
0x9f: {  	s4 =	ssub.s32 $0x0, s20;
	[sflag:s22] =	ssyncset.done $0x0  }
0xa0: {  	[sflag:s22] =	ssyncadd.s32 s4;
	_ =	sdelay $0x1  }
0xa1: {  	s23 =	simm.s32 $0x1B8B  }
0xa2: {  	_ =	swait.ge [sflag:s23], $0x1  }
0xa3: {  	[sflag:s23] =	ssyncset.done $0x0  }
0xa4: {  	s25 =	simm.s32 $0x1B8E;
	s24 =	sld [smem:$0x3FFE];
	[sflag:s23] =	ssyncadd.s32 $0xFFFFFFFF  }
0xa5: {  	s26 =	simm.s32 $execute0_lowered;
	[smem:$0x3FD2] =	sst s25  }
0xa6: {  	s5 =	sshll.u32 s26, $0x1;
	_ =	strace $0x80000046;
	[dreg:$0x1] =	wrdreg $0xFFFFFFFF  }
0xa7: {  	s28 =	simm.s32 $_size_execute0_lowered;
	s3 =	sadd.s32 s3, s5;
	[dreg:$0x0] =	wrdreg $0x0  }
0xa8: {  	s5 =	sshll.u32 s28, $0x1;
	[dreg:$0x2] =	wrdreg s3  }
0xa9: {  	[dreg:$0x3] =	wrdreg s5  }
0xaa: {  	[dreg:$0x4] =	wrdreg $0xC0  }
0xab: {  	_ =	task [dreg:s7], $0x5FFFF  }
0xac: {  	[dreg:$0x1] =	wrdreg $0xFFFFFFFF  }
0xad: {  	[dreg:$0x0] =	wrdreg $0x60  }
0xae: {  	[dreg:$0x2] =	wrdreg s24  }
0xaf: {  	[dreg:$0x3] =	wrdreg s2  }
0xb0: {  	[dreg:$0x4] =	wrdreg $0x9  }
0xb1: {  	_ =	task.clear_ibuf [dreg:s7], $0x5FFFF;
	_ =	strace $0x90000046  }
0xb2: {  	s29 =	simm.s32 $0x9;
	_ =	strace $0x80000048  }
0xb3: {  	_ =	swait.ge [sflag:s29], $0x1  }
0xb4: {  	[sflag:s29] =	ssyncadd.s32 $0xFFFFFFFF  }
0xb5: {  	_ =	strace $0x90000048  }
0xb6: {  	_ =	sfence  }
0xb7: {  	s30 =	sld [smem:$0x0];
	_ =	sdelay $0x2  }
0xb8: {  	s31 =	sshll.u32 s1, $0xD;
	s1 =	sshrl.u32 s1, $0x2  }
0xb9: {  	s3 =	sand.u32 $0x4000, s31;
	s1 =	sadd.s32 s1, s30  }
0xba: {  	s0 =	sor.u32 s3, s0;
	s1 =	sshll.u32 s1, $0x11  }
0xbb: {  	s0 =	sor.u32 s1, s0  }
0xbc: {  	s0 =	sadd.s32 $0x8F2B, s0  }
0xbd: {  	[sflag:s0] =	ssyncadd.remote.s32 $0x1  }
0xbe: {  	_ =	sfence.sel $0xFFFF  }
0xbf: {  	[dreg:$0x0] =	wrdreg $0xFFFFFFFF;
	(pc) =	sbr.abs _section_cstart, $3  }
0xc0: {  	[dreg:$0x1] =	wrdreg $0xFFFFFFFF  }
0xc1: {  	_ =	task.clear_ibuf [dreg:s7], $0x2FFFF;
	_ =	strace $0x9FFFFFFF  }
0xc2: {  	(tm) =	ssettm $0x7FFFFFFF  }
0xc3: {  	_ =	shalt  }
tec
execute0_lowered:
.L_overlay_start_1:
0x0: {  	(tag) =	ssettag $0x1  }
0x1: {  	v0 =	vlaneseq.u32  }
0x2: {  	v0 =	vmul.u32 $0x88, v0  }
0x3: {  	s5 =	rddreg [dreg:$0x0];
	v1 =	vimm.s32 $0x0;
	vm0 =	vcmask $0x300  }
0x4: {  	s6 =	rddreg [dreg:$0x1];
	v1 =	vsel vm0, $0x3, v1;
	v2 =	vadd.s32 $0x880, v0  }
0x5: {  	s0 =	rddreg [dreg:$0x2];
	s1 =	simm.s32 $0x0;
	s3 =	srdreg.scid;
	v3 =	vadd.s32 $0x1100, v0;
	v4 =	vadd.s32 $0x1980, v0;
	v5 =	vor.u32 $0x1, v0  }
0x6: {  	s2 =	stileid.u32;
	s9 =	simm.s32 $0x1000;
	s10 =	simm.s32 $0x5;
	v6 =	vadd.s32 $0x881, v0;
	v7 =	vadd.s32 $0x1101, v0;
	v8 =	vadd.s32 $0x1981, v0  }
0x7: {  	s11 =	simm.s32 $0x6400;
	s12 =	simm.s32 $0x8400;
	s13 =	simm.s32 $0x1;
	v9 =	vor.u32 $0x2, v0;
	v10 =	vadd.s32 $0x882, v0;
	v11 =	vadd.s32 $0x1102, v0  }
0x8: {  	s14 =	simm.s32 $0xA400;
	s15 =	simm.s32 $0x2;
	s16 =	simm.s32 $0x4;
	v12 =	vadd.s32 $0x1982, v0;
	v13 =	vor.u32 $0x3, v0;
	v14 =	vadd.s32 $0x883, v0  }
0x9: {  	s17 =	simm.s32 $0xC600;
	s18 =	simm.s32 $0x3;
	s19 =	simm.s32 $0x0;
	v15 =	vadd.s32 $0x1103, v0;
	v16 =	vadd.s32 $0x1983, v0;
	v17 =	vor.u32 $0x4, v0  }
0xa: {  	[smem:$0x7FF] =	sst s1;
	s3 =	sand.u32 $0x1, s3;
	s4 =	sshll.u32 s2, $0x8;
	v18 =	vadd.s32 $0x884, v0;
	v19 =	vadd.s32 $0x1104, v0;
	v20 =	vadd.s32 $0x1984, v0  }
0xb: {  	s7 =	ssub.s32 $0x2, s3;
	s3 =	sshll.u32 s3, $0x7;
	_ =	strace $0x80000047;
	v21 =	vor.u32 $0x5, v0;
	v22 =	vadd.s32 $0x885, v0;
	v23 =	vadd.s32 $0x1105, v0  }
0xc: {  	s8 =	sshrl.u32 s7, $0x1;
	s3 =	sor.u32 s3, s4;
	s4 =	sadd.s32 $0xF42A00, s5;
	v24 =	vadd.s32 $0x1985, v0;
	v25 =	vor.u32 $0x6, v0;
	v26 =	vadd.s32 $0x886, v0  }
0xd: {  	s5 =	sadd.s32 $0x600, s5;
	v27 =	vadd.s32 $0x1106, v0;
	v28 =	vadd.s32 $0x1986, v0;
	v29 =	vor.u32 $0x7, v0;
	s7 =	ssub.s32 s7, s8;
	s31 =	sshrl.u32 s3, $0x3  }
0xe: {  	v30 =	vadd.s32 $0x887, v0;
	v31 =	vadd.s32 $0x1107, v0;
	v32 =	vadd.s32 $0x1987, v0;
	s8 =	simm.s32 $0x80;
	s6 =	sadd.s32 s6, s31;
	s7 =	smax.u32 s7, $0x1  }
.LBB2_1:
0xf: {  	[tilespmem:s1], [sflag:$0x5] =	stream.strided.gather [hbm4b:s6+s8], $0x6400, s9, s8, $0x38;
	[tilespmem:$0xE800] =	vst v63  }
0x10: {  	_ =	swait.ge [sflag:s10], $0x6400  }
0x11: {  	[sflag:s10] =	ssyncset.done $0x0  }
0x12: {  	s20 =	simm.s32 $0x0;
	[sflag:s10] =	ssyncadd.s32 $0xFFFF9C00  }
0x13: {  	[tilespmem:s11], [sflag:$0x1] =	stream.indirect.gather [hbm4b:s4+s8], $0x40, s1, s8, $0xb8;
	[tilespmem:$0xE800] =	vst v63  }
.LBB2_2:
0x14: {  	s21 =	sshllo.u32 s20, $0x1;
	s25 =	simm.s32 $0x0;
	s26 =	simm.s32 $0x1  }
0x15: {  	s23 =	simm.s32 $0x2;
	s28 =	simm.s32 $0x3;
	s22 =	sshll.u32 s21, $0x7  }
0x16: {  	s29 =	simm.s32 $0x4;
	s24 =	simm.s32 $0x7;
	v33 =	vmov s25;
	s22 =	sand.u32 $0x3FFFFF80, s22  }
0x17: {  	v34 =	vmov s26;
	v35 =	vmov s23;
	[tilespmem:s12], [sflag:$0x2] =	stream.indirect.gather [hbm4b:s4+s8], $0x40, s22, s8, $0xb8;
	[tilespmem:$0xE800] =	vst v63  }
0x18: {  	s30 =	simm.s32 $0x5;
	s31 =	simm.s32 $0x6;
	v36 =	vmov s28;
	v37 =	vmov s29;
	v38 =	vmov s24;
	_ =	swait.ge [sflag:s13], $0x2000  }
0x19: {  	p0 =	seq.s32 s20, $0x0;
	v39 =	vmov s30;
	v40 =	vmov s31;
	v33 =	vshrl.u32 v33, $0x3;
	[sflag:s13] =	ssyncset.done $0x0  }
0x1a: {  	s23 =	simm.s32 @!p0 $0x3;
	v38 =	vshrl.u32 v38, $0x3;
	v34 =	vshrl.u32 v34, $0x3;
	v35 =	vshrl.u32 v35, $0x3;
	[sflag:s13] =	ssyncadd.s32 $0xFFFFE000  }
0x1b: {  	v36 =	vshrl.u32 v36, $0x3;
	v37 =	vshrl.u32 v37, $0x3;
	v38 =	vshll.u32 v38, v1;
	_ =	swait.ge @!p0 [sflag:s23], $0x2000  }
0x1c: {  	v55 =	vshrl.u32 v39, $0x3;
	v33 =	vshll.u32 v33, v1;
	v38 =	vbroadcast v38, $0x0;
	[sflag:s23] =	ssyncset.done @!p0 $0x0  }
0x1d: {  	v40 =	vshrl.u32 v40, $0x3;
	s22 =	simm.s32 $0x6500;
	v34 =	vshll.u32 v34, v1;
	v33 =	vbroadcast v33, $0x0;
	[sflag:s23] =	ssyncadd.s32 @!p0 $0xFFFFE000  }
0x1e: {  	v52 =	vshll.u32 v35, v1;
	v45 =	vbroadcast v34, $0x0;
	v42 =	vadd.s32 v29, v38;
	v41 =	vld [tilespmem:s22+$0xC0]  }
0x1f: {  	v53 =	vshll.u32 v36, v1;
	v52 =	vbroadcast v52, $0x0;
	v44 =	vadd.s32 v0, v33;
	v43 =	vld [tilespmem:s22+$0xFFFFFF00]  }
0x20: {  	v54 =	vshll.u32 v37, v1;
	v35 =	vbroadcast v53, $0x0;
	v47 =	vadd.s32 v5, v45;
	v46 =	vld [tilespmem:s22+$0xFFFFFF40]  }
0x21: {  	v36 =	vshll.u32 v55, v1;
	v34 =	vbroadcast v54, $0x0;
	v49 =	vadd.s32 v9, v52;
	v48 =	vld [tilespmem:s22+$0xFFFFFF80]  }
0x22: {  	v56 =	vshll.u32 v40, v1;
	v37 =	vbroadcast v36, $0x0;
	v50 =	vadd.s32 v13, v35;
	v39 =	vld [tilespmem:s22+$0xFFFFFFC0]  }
0x23: {  	v36 =	vbroadcast v56, $0x0;
	v53 =	vadd.s32 v17, v34;
	v51 =	vld [tilespmem:s22+$0x0];
	[tilespmem:v42+s14+$0x0] =	vst.idx.msk $0xffff, v41  }
0x24: {  	v60 =	vadd.s32 v21, v37;
	v59 =	vld [tilespmem:s22+$0x40];
	[tilespmem:v44+s14+$0x0] =	vst.idx.msk $0xffff, v43  }
0x25: {  	v62 =	vadd.s32 v25, v36;
	v61 =	vld [tilespmem:s22+$0x80];
	[tilespmem:v47+s14+$0x0] =	vst.idx.msk $0xffff, v46  }
0x26: {  	v58 =	vadd.s32 v30, v38;
	[tilespmem:v49+s14+$0x0] =	vst.idx.msk $0xffff, v48;
	v57 =	vld [tilespmem:s22+$0xD0]  }
0x27: {  	v63 =	vadd.s32 v6, v45;
	[tilespmem:v50+s14+$0x0] =	vst.idx.msk $0xffff, v39;
	v47 =	vld [tilespmem:s22+$0xFFFFFF50]  }
0x28: {  	v55 =	vadd.s32 v10, v52;
	[tilespmem:v53+s14+$0x0] =	vst.idx.msk $0xffff, v51;
	v54 =	vld [tilespmem:s22+$0xFFFFFF90]  }
0x29: {  	v56 =	vadd.s32 v14, v35;
	[tilespmem:v60+s14+$0x0] =	vst.idx.msk $0xffff, v59;
	v50 =	vld [tilespmem:s22+$0xFFFFFFD0]  }
0x2a: {  	[tilespmem:v62+s14+$0x0] =	vst.idx.msk $0xffff, v61;
	v46 =	vadd.s32 v22, v37;
	v44 =	vld [tilespmem:s22+$0x50]  }
0x2b: {  	v59 =	vadd.s32 v18, v34;
	[tilespmem:v58+s14+$0x0] =	vst.idx.msk $0xffff, v57;
	v58 =	vld [tilespmem:s22+$0x10]  }
0x2c: {  	v57 =	vadd.s32 v31, v38;
	[tilespmem:v63+s14+$0x0] =	vst.idx.msk $0xffff, v47;
	v40 =	vld [tilespmem:s22+$0xE0]  }
0x2d: {  	v60 =	vadd.s32 v26, v36;
	[tilespmem:v55+s14+$0x0] =	vst.idx.msk $0xffff, v54;
	v63 =	vld [tilespmem:s22+$0x90]  }
0x2e: {  	v62 =	vadd.s32 v2, v33;
	v61 =	vld [tilespmem:s22+$0xFFFFFF10];
	[tilespmem:v56+s14+$0x0] =	vst.idx.msk $0xffff, v50  }
0x2f: {  	v51 =	vadd.s32 v7, v45;
	[tilespmem:v46+s14+$0x0] =	vst.idx.msk $0xffff, v44;
	v50 =	vld [tilespmem:s22+$0xFFFFFF60]  }
0x30: {  	v56 =	vadd.s32 v11, v52;
	v55 =	vld [tilespmem:s22+$0xFFFFFFA0];
	[tilespmem:v59+s14+$0x0] =	vst.idx.msk $0xffff, v58  }
0x31: {  	v58 =	vadd.s32 v15, v35;
	[tilespmem:v57+s14+$0x0] =	vst.idx.msk $0xffff, v40;
	v57 =	vld [tilespmem:s22+$0xFFFFFFE0]  }
0x32: {  	[tilespmem:v60+s14+$0x0] =	vst.idx.msk $0xffff, v63;
	v60 =	vadd.s32 v19, v34;
	v59 =	vld [tilespmem:s22+$0x20]  }
0x33: {  	s25 =	simm.s32 $0x9;
	v38 =	vadd.s32 v32, v38;
	[tilespmem:v62+s14+$0x0] =	vst.idx.msk $0xffff, v61;
	v54 =	vld [tilespmem:s22+$0xF0]  }
0x34: {  	s24 =	simm.s32 $0x8;
	v41 =	vadd.s32 v23, v37;
	v53 =	vmov s25;
	[tilespmem:v51+s14+$0x0] =	vst.idx.msk $0xffff, v50;
	v40 =	vld [tilespmem:s22+$0x60]  }
0x35: {  	s28 =	simm.s32 $0xB;
	s29 =	simm.s32 $0xC;
	v43 =	vadd.s32 v27, v36;
	v48 =	vadd.s32 v3, v33;
	v63 =	vmov s24;
	v42 =	vld [tilespmem:s22+$0xA0];
	[tilespmem:v56+s14+$0x0] =	vst.idx.msk $0xffff, v55  }
0x36: {  	s31 =	simm.s32 $0xE;
	v44 =	vmov s28;
	v47 =	vmov s29;
	v46 =	vld [tilespmem:s22+$0xFFFFFF20];
	v39 =	vshrl.u32 v63, $0x3;
	[tilespmem:v58+s14+$0x0] =	vst.idx.msk $0xffff, v57  }
0x37: {  	s26 =	simm.s32 $0xA;
	s30 =	simm.s32 $0xD;
	v51 =	vadd.s32 v8, v45;
	v49 =	vld [tilespmem:s22+$0xFFFFFF70];
	v45 =	vshll.u32 v39, v1;
	v39 =	vmov s31;
	[tilespmem:v60+s14+$0x0] =	vst.idx.msk $0xffff, v59  }
0x38: {  	s23 =	simm.s32 $0x10;
	v52 =	vadd.s32 v12, v52;
	s24 =	simm.s32 $0xF;
	v50 =	vld [tilespmem:s22+$0xFFFFFFB0];
	[tilespmem:v38+s14+$0x0] =	vst.idx.msk $0xffff, v54;
	v54 =	vmov s26;
	v38 =	vmov s30  }
.LBB2_3:
0x39: {  	p1 =	slt.u32 s23, $0x78;
	v53 =	vshrl.u32 v53, $0x3;
	v55 =	vmov s24;
	v56 =	vld [tilespmem:s22+$0xFFFFFFF0];
	v35 =	vadd.s32 v16, v35;
	[tilespmem:v41+s14+$0x0] =	vst.idx.msk $0xffff, v40  }
0x3a: {  	v40 =	vshrl.u32 v54, $0x3;
	v34 =	vadd.s32 v20, v34;
	v41 =	vshrl.u32 v55, $0x3;
	v54 =	vld [tilespmem:s22+$0x30];
	[tilespmem:v43+s14+$0x0] =	vst.idx.msk $0xffff, v42  }
0x3b: {  	v37 =	vadd.s32 v24, v37;
	v42 =	vshrl.u32 v44, $0x3;
	v41 =	vshll.u32 v41, v1;
	[tilespmem:v48+s14+$0x0] =	vst.idx.msk $0xffff, v46;
	v43 =	vld [tilespmem:s22+$0x70]  }
0x3c: {  	v36 =	vadd.s32 v28, v36;
	v44 =	vshrl.u32 v47, $0x3;
	v41 =	vbroadcast v41, $0x0;
	[tilespmem:v51+s14+$0x0] =	vst.idx.msk $0xffff, v49;
	v46 =	vld [tilespmem:s22+$0xB0]  }
0x3d: {  	v47 =	vshll.u32 v53, v1;
	v49 =	vadd.s32 v4, v33;
	v33 =	vbroadcast v45, $0x0;
	v48 =	vld [tilespmem:s22+$0xFFFFFF30];
	[tilespmem:v52+s14+$0x0] =	vst.idx.msk $0xffff, v50;
	s22 =	sadd.s32 $0x200, s22  }
0x3e: {  	v40 =	vshll.u32 v40, v1;
	v45 =	vbroadcast v47, $0x0;
	v47 =	vld [tilespmem:s22+$0xC0];
	v50 =	vadd.s32 v29, v41;
	[tilespmem:v35+s14+$0x0] =	vst.idx.msk $0xffff, v56  }
0x3f: {  	v55 =	vbroadcast v40, $0x0;
	v52 =	vadd.s32 v0, v33;
	v35 =	vshll.u32 v42, v1;
	v51 =	vld [tilespmem:s22+$0xFFFFFF00];
	[tilespmem:v34+s14+$0x0] =	vst.idx.msk $0xffff, v54  }
0x40: {  	v42 =	vadd.s32 v5, v45;
	v35 =	vbroadcast v35, $0x0;
	v34 =	vshll.u32 v44, v1;
	v40 =	vld [tilespmem:s22+$0xFFFFFF40];
	[tilespmem:v37+s14+$0x0] =	vst.idx.msk $0xffff, v43  }
0x41: {  	v44 =	vadd.s32 v9, v55;
	v34 =	vbroadcast v34, $0x0;
	v37 =	vshrl.u32 v38, $0x3;
	v43 =	vld [tilespmem:s22+$0xFFFFFF80];
	[tilespmem:v36+s14+$0x0] =	vst.idx.msk $0xffff, v46  }
0x42: {  	v39 =	vshrl.u32 v39, $0x3;
	v46 =	vadd.s32 v13, v35;
	v36 =	vshll.u32 v37, v1;
	v38 =	vld [tilespmem:s22+$0xFFFFFFC0];
	[tilespmem:v49+s14+$0x0] =	vst.idx.msk $0xffff, v48  }
0x43: {  	v49 =	vadd.s32 v17, v34;
	v37 =	vbroadcast v36, $0x0;
	v36 =	vshll.u32 v39, v1;
	v48 =	vld [tilespmem:s22+$0x0];
	[tilespmem:v50+s14+$0x0] =	vst.idx.msk $0xffff, v47  }
0x44: {  	v36 =	vbroadcast v36, $0x0;
	v47 =	vadd.s32 v30, v41;
	[tilespmem:v52+s14+$0x0] =	vst.idx.msk $0xffff, v51;
	v39 =	vld [tilespmem:s22+$0xD0]  }
0x45: {  	[tilespmem:v42+s14+$0x0] =	vst.idx.msk $0xffff, v40;
	v40 =	vld [tilespmem:s22+$0x40];
	v42 =	vadd.s32 v21, v37  }
0x46: {  	[tilespmem:v44+s14+$0x0] =	vst.idx.msk $0xffff, v43;
	v43 =	vld [tilespmem:s22+$0x80];
	v44 =	vadd.s32 v25, v36  }
0x47: {  	v51 =	vadd.s32 v6, v45;
	v50 =	vld [tilespmem:s22+$0xFFFFFF50];
	[tilespmem:v46+s14+$0x0] =	vst.idx.msk $0xffff, v38  }
0x48: {  	v46 =	vadd.s32 v10, v55;
	v38 =	vld [tilespmem:s22+$0xFFFFFF90];
	[tilespmem:v49+s14+$0x0] =	vst.idx.msk $0xffff, v48  }
0x49: {  	v49 =	vadd.s32 v14, v35;
	v48 =	vld [tilespmem:s22+$0xFFFFFFD0];
	[tilespmem:v47+s14+$0x0] =	vst.idx.msk $0xffff, v39  }
0x4a: {  	[tilespmem:v42+s14+$0x0] =	vst.idx.msk $0xffff, v40;
	v39 =	vld [tilespmem:s22+$0xE0];
	v40 =	vadd.s32 v31, v41  }
0x4b: {  	v47 =	vadd.s32 v18, v34;
	v42 =	vld [tilespmem:s22+$0x10];
	[tilespmem:v44+s14+$0x0] =	vst.idx.msk $0xffff, v43  }
0x4c: {  	v44 =	vadd.s32 v22, v37;
	[tilespmem:v51+s14+$0x0] =	vst.idx.msk $0xffff, v50;
	v43 =	vld [tilespmem:s22+$0x50]  }
0x4d: {  	[tilespmem:v46+s14+$0x0] =	vst.idx.msk $0xffff, v38;
	v38 =	vld [tilespmem:s22+$0x90];
	v46 =	vadd.s32 v26, v36  }
0x4e: {  	v51 =	vadd.s32 v2, v33;
	v50 =	vld [tilespmem:s22+$0xFFFFFF10];
	[tilespmem:v49+s14+$0x0] =	vst.idx.msk $0xffff, v48  }
0x4f: {  	v49 =	vadd.s32 v7, v45;
	v48 =	vld [tilespmem:s22+$0xFFFFFF60];
	[tilespmem:v40+s14+$0x0] =	vst.idx.msk $0xffff, v39  }
0x50: {  	[tilespmem:v47+s14+$0x0] =	vst.idx.msk $0xffff, v42;
	v39 =	vld [tilespmem:s22+$0xF0];
	v47 =	vadd.s32 v32, v41  }
0x51: {  	v56 =	vadd.s32 v11, v55;
	v52 =	vld [tilespmem:s22+$0xFFFFFFA0];
	[tilespmem:v44+s14+$0x0] =	vst.idx.msk $0xffff, v43  }
0x52: {  	v58 =	vadd.s32 v15, v35;
	v57 =	vld [tilespmem:s22+$0xFFFFFFE0];
	[tilespmem:v46+s14+$0x0] =	vst.idx.msk $0xffff, v38  }
0x53: {  	v60 =	vadd.s32 v19, v34;
	[tilespmem:v51+s14+$0x0] =	vst.idx.msk $0xffff, v50;
	v59 =	vld [tilespmem:s22+$0x20]  }
.Ltmp0:
0x54: {  	s24 =	sadd.s32 $0x1, s23;
	v41 =	vadd.s32 v23, v37;
	v38 =	vmov s23;
	[tilespmem:v49+s14+$0x0] =	vst.idx.msk $0xffff, v48;
	v40 =	vld [tilespmem:s22+$0x60];
	(pc) =	sbr.rel @p1 .LBB2_3-.Ltmp0, $4  }
0x55: {  	s25 =	sadd.s32 $0x3, s23;
	v53 =	vmov s24;
	s24 =	sadd.s32 $0x2, s23;
	v43 =	vadd.s32 v27, v36;
	v50 =	vshrl.u32 v38, $0x3;
	v42 =	vld [tilespmem:s22+$0xA0];
	[tilespmem:v47+s14+$0x0] =	vst.idx.msk $0xffff, v39  }
0x56: {  	v54 =	vmov s24;
	s24 =	sadd.s32 $0x4, s23;
	v44 =	vmov s25;
	s25 =	sadd.s32 $0x5, s23;
	v48 =	vadd.s32 v3, v33;
	v46 =	vld [tilespmem:s22+$0xFFFFFF20];
	[tilespmem:v56+s14+$0x0] =	vst.idx.msk $0xffff, v52  }
0x57: {  	v38 =	vmov s25;
	v51 =	vadd.s32 v8, v45;
	v47 =	vmov s24;
	s24 =	sadd.s32 $0x6, s23;
	v49 =	vld [tilespmem:s22+$0xFFFFFF70];
	[tilespmem:v58+s14+$0x0] =	vst.idx.msk $0xffff, v57  }
0x58: {  	v45 =	vshll.u32 v50, v1;
	v39 =	vmov s24;
	s24 =	sadd.s32 $0x7, s23;
	s23 =	sadd.s32 $0x8, s23;
	v52 =	vadd.s32 v12, v55;
	v50 =	vld [tilespmem:s22+$0xFFFFFFB0];
	[tilespmem:v60+s14+$0x0] =	vst.idx.msk $0xffff, v59  }
0x59: {  	_ =	sdelay $0x2  }
0x5a: {  	v53 =	vshrl.u32 v53, $0x3  }
0x5b: {  	v55 =	vmov s24;
	v56 =	vld [tilespmem:s22+$0xFFFFFFF0];
	v35 =	vadd.s32 v16, v35;
	[tilespmem:v41+s14+$0x0] =	vst.idx.msk $0xffff, v40;
	v57 =	vshrl.u32 v54, $0x3  }
0x5c: {  	v59 =	vld [tilespmem:s22+$0x30];
	v34 =	vadd.s32 v20, v34;
	v60 =	vshrl.u32 v44, $0x3;
	v58 =	vshrl.u32 v55, $0x3;
	[tilespmem:v43+s14+$0x0] =	vst.idx.msk $0xffff, v42  }
0x5d: {  	v37 =	vadd.s32 v24, v37;
	v62 =	vshrl.u32 v47, $0x3;
	v61 =	vld [tilespmem:s22+$0x70];
	v41 =	vshll.u32 v58, v1;
	[tilespmem:v48+s14+$0x0] =	vst.idx.msk $0xffff, v46  }
0x5e: {  	v36 =	vadd.s32 v28, v36;
	v45 =	vbroadcast v45, $0x0;
	v63 =	vld [tilespmem:s22+$0xB0];
	v41 =	vbroadcast v41, $0x0;
	[tilespmem:v51+s14+$0x0] =	vst.idx.msk $0xffff, v49  }
0x5f: {  	v33 =	vadd.s32 v4, v33;
	s30 =	sadd.s32 $0x200, s22;
	v38 =	vshrl.u32 v38, $0x3;
	v55 =	vshll.u32 v53, v1;
	v48 =	vld [tilespmem:s22+$0xFFFFFF30];
	[tilespmem:v52+s14+$0x0] =	vst.idx.msk $0xffff, v50  }
0x60: {  	v40 =	vshll.u32 v57, v1;
	v47 =	vbroadcast v55, $0x0;
	v49 =	vld [tilespmem:s30+$0xC0];
	v50 =	vadd.s32 v29, v41;
	[tilespmem:v35+s14+$0x0] =	vst.idx.msk $0xffff, v56  }
0x61: {  	v42 =	vshll.u32 v60, v1;
	v40 =	vbroadcast v40, $0x0;
	v35 =	vld [tilespmem:s30+$0xFFFFFF00];
	v56 =	vadd.s32 v0, v45;
	[tilespmem:v34+s14+$0x0] =	vst.idx.msk $0xffff, v59  }
0x62: {  	v57 =	vld [tilespmem:s30+$0xFFFFFF40];
	v44 =	vshll.u32 v62, v1;
	v42 =	vbroadcast v42, $0x0;
	v58 =	vadd.s32 v5, v47;
	[tilespmem:v37+s14+$0x0] =	vst.idx.msk $0xffff, v61  }
0x63: {  	v38 =	vshll.u32 v38, v1;
	v44 =	vbroadcast v44, $0x0;
	v60 =	vadd.s32 v9, v40;
	v59 =	vld [tilespmem:s30+$0xFFFFFF80];
	[tilespmem:v36+s14+$0x0] =	vst.idx.msk $0xffff, v63  }
0x64: {  	v38 =	vbroadcast v38, $0x0;
	v62 =	vadd.s32 v13, v42;
	v61 =	vld [tilespmem:s30+$0xFFFFFFC0];
	[tilespmem:v33+s14+$0x0] =	vst.idx.msk $0xffff, v48  }
0x65: {  	v39 =	vshrl.u32 v39, $0x3;
	v63 =	vadd.s32 v17, v44;
	v33 =	vld [tilespmem:s30+$0x0];
	[tilespmem:v50+s14+$0x0] =	vst.idx.msk $0xffff, v49  }
0x66: {  	v39 =	vshll.u32 v39, v1;
	v34 =	vld [tilespmem:s30+$0x40];
	[tilespmem:v56+s14+$0x0] =	vst.idx.msk $0xffff, v35;
	v56 =	vadd.s32 v21, v38  }
0x67: {  	[tilespmem:v58+s14+$0x0] =	vst.idx.msk $0xffff, v57;
	v35 =	vbroadcast v39, $0x0;
	v49 =	vadd.s32 v30, v41;
	v39 =	vld [tilespmem:s30+$0xD0]  }
0x68: {  	[tilespmem:v60+s14+$0x0] =	vst.idx.msk $0xffff, v59;
	v59 =	vld [tilespmem:s30+$0xFFFFFF50];
	v60 =	vadd.s32 v6, v47  }
0x69: {  	v57 =	vld [tilespmem:s30+$0x80];
	[tilespmem:v62+s14+$0x0] =	vst.idx.msk $0xffff, v61;
	v58 =	vadd.s32 v25, v35  }
0x6a: {  	v61 =	vld [tilespmem:s30+$0xFFFFFF90];
	v62 =	vadd.s32 v10, v40;
	[tilespmem:v63+s14+$0x0] =	vst.idx.msk $0xffff, v33  }
0x6b: {  	v33 =	vld [tilespmem:s30+$0xFFFFFFD0];
	v63 =	vadd.s32 v14, v42;
	[tilespmem:v56+s14+$0x0] =	vst.idx.msk $0xffff, v34  }
0x6c: {  	v56 =	vadd.s32 v18, v44;
	[tilespmem:v49+s14+$0x0] =	vst.idx.msk $0xffff, v39;
	v49 =	vld [tilespmem:s30+$0x10]  }
0x6d: {  	[tilespmem:v60+s14+$0x0] =	vst.idx.msk $0xffff, v59;
	v39 =	vadd.s32 v31, v41;
	v34 =	vld [tilespmem:s30+$0xE0]  }
0x6e: {  	[tilespmem:v58+s14+$0x0] =	vst.idx.msk $0xffff, v57;
	v57 =	vld [tilespmem:s30+$0x50];
	v58 =	vadd.s32 v22, v38  }
0x6f: {  	[tilespmem:v62+s14+$0x0] =	vst.idx.msk $0xffff, v61;
	v61 =	vld [tilespmem:s30+$0xFFFFFF10];
	v62 =	vadd.s32 v2, v45  }
0x70: {  	v60 =	vadd.s32 v26, v35;
	v59 =	vld [tilespmem:s30+$0x90];
	[tilespmem:v63+s14+$0x0] =	vst.idx.msk $0xffff, v33  }
0x71: {  	v55 =	vadd.s32 v11, v40;
	v54 =	vadd.s32 v32, v41;
	v41 =	vld [tilespmem:s30+$0xFFFFFFA0];
	[tilespmem:v56+s14+$0x0] =	vst.idx.msk $0xffff, v49  }
0x72: {  	v53 =	vadd.s32 v7, v47;
	v63 =	vld [tilespmem:s30+$0xFFFFFF60];
	[tilespmem:v39+s14+$0x0] =	vst.idx.msk $0xffff, v34  }
0x73: {  	v56 =	vld [tilespmem:s30+$0xFFFFFFE0];
	[tilespmem:v58+s14+$0x0] =	vst.idx.msk $0xffff, v57;
	v57 =	vadd.s32 v15, v42  }
0x74: {  	[tilespmem:v62+s14+$0x0] =	vst.idx.msk $0xffff, v61;
	v34 =	vld [tilespmem:s30+$0xF0]  }
0x75: {  	v58 =	vld [tilespmem:s30+$0x20];
	[tilespmem:v60+s14+$0x0] =	vst.idx.msk $0xffff, v59;
	v59 =	vadd.s32 v19, v44  }
0x76: {  	v61 =	vadd.s32 v23, v38;
	[tilespmem:v55+s14+$0x0] =	vst.idx.msk $0xffff, v41;
	v60 =	vld [tilespmem:s30+$0x60]  }
0x77: {  	[tilespmem:v53+s14+$0x0] =	vst.idx.msk $0xffff, v63;
	v63 =	vadd.s32 v27, v35;
	v62 =	vld [tilespmem:s30+$0xA0]  }
0x78: {  	v47 =	vadd.s32 v8, v47;
	v55 =	vld [tilespmem:s30+$0xFFFFFF70];
	[tilespmem:v57+s14+$0x0] =	vst.idx.msk $0xffff, v56  }
0x79: {  	v53 =	vld [tilespmem:s30+$0xFFFFFF20];
	[tilespmem:v54+s14+$0x0] =	vst.idx.msk $0xffff, v34;
	v54 =	vadd.s32 v3, v45  }
0x7a: {  	v40 =	vadd.s32 v12, v40;
	v56 =	vld [tilespmem:s30+$0xFFFFFFB0];
	[tilespmem:v59+s14+$0x0] =	vst.idx.msk $0xffff, v58  }
0x7b: {  	v42 =	vadd.s32 v16, v42;
	v57 =	vld [tilespmem:s30+$0xFFFFFFF0];
	[tilespmem:v61+s14+$0x0] =	vst.idx.msk $0xffff, v60  }
0x7c: {  	v59 =	vadd.s32 v20, v44;
	v58 =	vld [tilespmem:s30+$0x30];
	[tilespmem:v63+s14+$0x0] =	vst.idx.msk $0xffff, v62  }
0x7d: {  	v38 =	vadd.s32 v24, v38;
	v60 =	vld [tilespmem:s30+$0x70];
	[tilespmem:v47+s14+$0x0] =	vst.idx.msk $0xffff, v55  }
0x7e: {  	v35 =	vadd.s32 v28, v35;
	v61 =	vld [tilespmem:s30+$0xB0];
	[tilespmem:v54+s14+$0x0] =	vst.idx.msk $0xffff, v53  }
0x7f: {  	v63 =	vadd.s32 v4, v45;
	[tilespmem:v40+s14+$0x0] =	vst.idx.msk $0xffff, v56;
	v62 =	vld [tilespmem:s30+$0xFFFFFF30]  }
0x80: {  	s31 =	sshll.u32 s20, $0x13;
	[tilespmem:v42+s14+$0x0] =	vst.idx.msk $0xffff, v57  }
0x81: {  	s22 =	sor.u32 s3, s31;
	[tilespmem:v59+s14+$0x0] =	vst.idx.msk $0xffff, v58  }
0x82: {  	s22 =	sshrl.u32 s22, $0x3;
	[tilespmem:v38+s14+$0x0] =	vst.idx.msk $0xffff, v60  }
0x83: {  	s23 =	simm.s32 $0xA400;
	s22 =	sadd.s32 s5, s22;
	[tilespmem:v35+s14+$0x0] =	vst.idx.msk $0xffff, v61  }
0x84: {  	s24 =	simm.s32 $0x200;
	s25 =	simm.s32 $0xA488;
	s26 =	sadd.s32 $0x0, s22;
	[tilespmem:v63+s14+$0x0] =	vst.idx.msk $0xffff, v62  }
.LBB2_5:
0x85: {  	[hbm4b:s26+s1] =	stream.linear.scatter [tilespmem:s23], [sflag:$0x3], $0x80, $0x38;
	[tilespmem:$0xE800] =	vst v63  }
0x86: {  	s26 =	smov.u32 s24;
	s23 =	smov.u32 s25;
	p1 =	sne.s32 s24, $0x7E00  }
.Ltmp1:
0x87: {  	s24 =	sadd.s32 $0x200, s24;
	(pc) =	sbr.rel @p1 .LBB2_5-.Ltmp1, $2  }
0x88: {  	_ =	sdelay $0x2  }
0x89: {  	s25 =	sadd.s32 $0x88, s25;
	s26 =	sadd.s32 s26, s22  }
0x8a: {  	p1 =	sne.s32 s20, $0x63  }
.Ltmp2:
0x8b: {  	_ = 	snop;
	(pc) =	sbr.rel @p1 .LBB2_8-.Ltmp2, $2  }
0x8c: {  	_ =	sdelay $0x2  }
0x8d: {  	[hbm4b:s26+s1] =	stream.linear.scatter [tilespmem:s23], [sflag:$0x3], $0x80, $0x38;
	[tilespmem:$0xE800] =	vst v63  }
.Ltmp3:
0x8e: {  	(pc) =	sbr.rel .LBB2_9-.Ltmp3, $4  }
0x8f: {  	_ = 	snop  }
0x90: {  	_ =	swait.ge [sflag:s15], $0x2000  }
0x91: {  	[sflag:s15] =	ssyncset.done $0x0  }
0x92: {  	[sflag:s15] =	ssyncadd.s32 $0xFFFFE000  }
.LBB2_8:
0x93: {  	s22 =	sshll.u32 s20, $0x8  }
0x94: {  	s22 =	sand.u32 $0x3FFFFF00, s22  }
.Ltmp4:
0x95: {  	s22 =	sadd.s32 $0x100, s22;
	(pc) =	sbr.rel @p0 .LBB2_10-.Ltmp4, $4  }
0x96: {  	[tilespmem:s11], [sflag:$0x1] =	stream.indirect.gather [hbm4b:s4+s8], $0x40, s22, s8, $0xb8;
	[tilespmem:$0xE800] =	vst v63  }
0x97: {  	_ =	swait.ge [sflag:s15], $0x2000  }
0x98: {  	[sflag:s15] =	ssyncset.done $0x0  }
0x99: {  	[sflag:s15] =	ssyncadd.s32 $0xFFFFE000  }
.LBB2_9:
0x9a: {  	_ =	swait.ge [sflag:s16], $0x2000  }
0x9b: {  	[sflag:s16] =	ssyncset.done $0x0  }
0x9c: {  	[sflag:s16] =	ssyncadd.s32 $0xFFFFE000  }
.LBB2_10:
0x9d: {  	s22 =	simm.s32 $0x0;
	s28 =	simm.s32 $0x1;
	s23 =	simm.s32 $0x2  }
0x9e: {  	s29 =	simm.s32 $0x3;
	s30 =	simm.s32 $0x4;
	s24 =	simm.s32 $0x7;
	v33 =	vmov s22;
	v34 =	vmov s28;
	v35 =	vmov s23  }
0x9f: {  	s31 =	simm.s32 $0x5;
	v36 =	vmov s29;
	v37 =	vmov s30;
	v38 =	vmov s24  }
0xa0: {  	v39 =	vmov s31;
	s23 =	simm.s32 $0x6;
	v33 =	vshrl.u32 v33, $0x3;
	v38 =	vshrl.u32 v38, $0x3  }
0xa1: {  	v40 =	vmov s23;
	v34 =	vshrl.u32 v34, $0x3;
	v35 =	vshrl.u32 v35, $0x3  }
0xa2: {  	v36 =	vshrl.u32 v36, $0x3;
	v37 =	vshrl.u32 v37, $0x3;
	v38 =	vshll.u32 v38, v1  }
0xa3: {  	v55 =	vshrl.u32 v39, $0x3;
	v33 =	vshll.u32 v33, v1;
	v38 =	vbroadcast v38, $0x0  }
0xa4: {  	s22 =	simm.s32 $0x85F0;
	v34 =	vshll.u32 v34, v1;
	v52 =	vshll.u32 v35, v1;
	v33 =	vbroadcast v33, $0x0  }
0xa5: {  	v41 =	vld [tilespmem:s22+$0xFFFFFFD0];
	v53 =	vshll.u32 v36, v1;
	v45 =	vbroadcast v34, $0x0;
	v42 =	vadd.s32 v29, v38  }
0xa6: {  	v43 =	vld [tilespmem:s22+$0xFFFFFE10];
	v54 =	vshll.u32 v37, v1;
	v52 =	vbroadcast v52, $0x0;
	v44 =	vadd.s32 v0, v33  }
0xa7: {  	v46 =	vld [tilespmem:s22+$0xFFFFFE50];
	v36 =	vshll.u32 v55, v1;
	v35 =	vbroadcast v53, $0x0;
	v47 =	vadd.s32 v5, v45  }
0xa8: {  	v48 =	vld [tilespmem:s22+$0xFFFFFE90];
	v40 =	vshrl.u32 v40, $0x3;
	v34 =	vbroadcast v54, $0x0;
	v49 =	vadd.s32 v9, v52  }
0xa9: {  	v39 =	vld [tilespmem:s22+$0xFFFFFED0];
	v37 =	vbroadcast v36, $0x0;
	v56 =	vshll.u32 v40, v1;
	v50 =	vadd.s32 v13, v35  }
0xaa: {  	v51 =	vld [tilespmem:s22+$0xFFFFFF10];
	v36 =	vbroadcast v56, $0x0;
	v53 =	vadd.s32 v17, v34;
	[tilespmem:v42+s17+$0x0] =	vst.idx.msk $0xffff, v41  }
0xab: {  	v59 =	vld [tilespmem:s22+$0xFFFFFF50];
	v60 =	vadd.s32 v21, v37;
	[tilespmem:v44+s17+$0x0] =	vst.idx.msk $0xffff, v43  }
0xac: {  	v61 =	vld [tilespmem:s22+$0xFFFFFF90];
	v62 =	vadd.s32 v25, v36;
	[tilespmem:v47+s17+$0x0] =	vst.idx.msk $0xffff, v46  }
0xad: {  	v58 =	vadd.s32 v30, v38;
	[tilespmem:v49+s17+$0x0] =	vst.idx.msk $0xffff, v48;
	v57 =	vld [tilespmem:s22+$0xFFFFFFE0]  }
0xae: {  	v63 =	vadd.s32 v6, v45;
	[tilespmem:v50+s17+$0x0] =	vst.idx.msk $0xffff, v39;
	v47 =	vld [tilespmem:s22+$0xFFFFFE60]  }
0xaf: {  	v55 =	vadd.s32 v10, v52;
	[tilespmem:v53+s17+$0x0] =	vst.idx.msk $0xffff, v51;
	v54 =	vld [tilespmem:s22+$0xFFFFFEA0]  }
0xb0: {  	v56 =	vadd.s32 v14, v35;
	[tilespmem:v60+s17+$0x0] =	vst.idx.msk $0xffff, v59;
	v50 =	vld [tilespmem:s22+$0xFFFFFEE0]  }
0xb1: {  	v46 =	vadd.s32 v22, v37;
	[tilespmem:v62+s17+$0x0] =	vst.idx.msk $0xffff, v61;
	v44 =	vld [tilespmem:s22+$0xFFFFFF60]  }
0xb2: {  	v59 =	vadd.s32 v18, v34;
	[tilespmem:v58+s17+$0x0] =	vst.idx.msk $0xffff, v57;
	v58 =	vld [tilespmem:s22+$0xFFFFFF20]  }
0xb3: {  	v57 =	vadd.s32 v31, v38;
	[tilespmem:v63+s17+$0x0] =	vst.idx.msk $0xffff, v47;
	v40 =	vld [tilespmem:s22+$0xFFFFFFF0]  }
0xb4: {  	v60 =	vadd.s32 v26, v36;
	[tilespmem:v55+s17+$0x0] =	vst.idx.msk $0xffff, v54;
	v63 =	vld [tilespmem:s22+$0xFFFFFFA0]  }
0xb5: {  	v61 =	vld [tilespmem:s22+$0xFFFFFE20];
	v62 =	vadd.s32 v2, v33;
	[tilespmem:v56+s17+$0x0] =	vst.idx.msk $0xffff, v50  }
0xb6: {  	v51 =	vadd.s32 v7, v45;
	[tilespmem:v46+s17+$0x0] =	vst.idx.msk $0xffff, v44;
	v50 =	vld [tilespmem:s22+$0xFFFFFE70]  }
0xb7: {  	v56 =	vadd.s32 v11, v52;
	v55 =	vld [tilespmem:s22+$0xFFFFFEB0];
	[tilespmem:v59+s17+$0x0] =	vst.idx.msk $0xffff, v58  }
0xb8: {  	v58 =	vadd.s32 v15, v35;
	[tilespmem:v57+s17+$0x0] =	vst.idx.msk $0xffff, v40;
	v57 =	vld [tilespmem:s22+$0xFFFFFEF0]  }
0xb9: {  	[tilespmem:v60+s17+$0x0] =	vst.idx.msk $0xffff, v63;
	v60 =	vadd.s32 v19, v34;
	v59 =	vld [tilespmem:s22+$0xFFFFFF30]  }
0xba: {  	s25 =	simm.s32 $0x9;
	v38 =	vadd.s32 v32, v38;
	[tilespmem:v62+s17+$0x0] =	vst.idx.msk $0xffff, v61;
	v54 =	vld [tilespmem:s22+$0x0]  }
0xbb: {  	s24 =	simm.s32 $0x8;
	v41 =	vadd.s32 v23, v37;
	v53 =	vmov s25;
	[tilespmem:v51+s17+$0x0] =	vst.idx.msk $0xffff, v50;
	v40 =	vld [tilespmem:s22+$0xFFFFFF70]  }
0xbc: {  	s28 =	simm.s32 $0xB;
	s29 =	simm.s32 $0xC;
	v43 =	vadd.s32 v27, v36;
	v48 =	vadd.s32 v3, v33;
	v63 =	vmov s24;
	v42 =	vld [tilespmem:s22+$0xFFFFFFB0];
	[tilespmem:v56+s17+$0x0] =	vst.idx.msk $0xffff, v55  }
0xbd: {  	s31 =	simm.s32 $0xE;
	v44 =	vmov s28;
	v47 =	vmov s29;
	v46 =	vld [tilespmem:s22+$0xFFFFFE30];
	v39 =	vshrl.u32 v63, $0x3;
	[tilespmem:v58+s17+$0x0] =	vst.idx.msk $0xffff, v57  }
0xbe: {  	s26 =	simm.s32 $0xA;
	s30 =	simm.s32 $0xD;
	v51 =	vadd.s32 v8, v45;
	v49 =	vld [tilespmem:s22+$0xFFFFFE80];
	v45 =	vshll.u32 v39, v1;
	v39 =	vmov s31;
	[tilespmem:v60+s17+$0x0] =	vst.idx.msk $0xffff, v59  }
0xbf: {  	s23 =	simm.s32 $0x10;
	v52 =	vadd.s32 v12, v52;
	s24 =	simm.s32 $0xF;
	v50 =	vld [tilespmem:s22+$0xFFFFFEC0];
	[tilespmem:v38+s17+$0x0] =	vst.idx.msk $0xffff, v54;
	v54 =	vmov s26;
	v38 =	vmov s30  }
.LBB2_11:
0xc0: {  	p0 =	slt.u32 s23, $0x78;
	v53 =	vshrl.u32 v53, $0x3;
	v55 =	vmov s24;
	v56 =	vld [tilespmem:s22+$0xFFFFFF00];
	v35 =	vadd.s32 v16, v35;
	[tilespmem:v41+s17+$0x0] =	vst.idx.msk $0xffff, v40  }
0xc1: {  	v40 =	vshrl.u32 v54, $0x3;
	v34 =	vadd.s32 v20, v34;
	v41 =	vshrl.u32 v55, $0x3;
	v54 =	vld [tilespmem:s22+$0xFFFFFF40];
	[tilespmem:v43+s17+$0x0] =	vst.idx.msk $0xffff, v42  }
0xc2: {  	v37 =	vadd.s32 v24, v37;
	v42 =	vshrl.u32 v44, $0x3;
	v41 =	vshll.u32 v41, v1;
	[tilespmem:v48+s17+$0x0] =	vst.idx.msk $0xffff, v46;
	v43 =	vld [tilespmem:s22+$0xFFFFFF80]  }
0xc3: {  	v36 =	vadd.s32 v28, v36;
	v44 =	vshrl.u32 v47, $0x3;
	v41 =	vbroadcast v41, $0x0;
	[tilespmem:v51+s17+$0x0] =	vst.idx.msk $0xffff, v49;
	v46 =	vld [tilespmem:s22+$0xFFFFFFC0]  }
0xc4: {  	v47 =	vshll.u32 v53, v1;
	v49 =	vadd.s32 v4, v33;
	v33 =	vbroadcast v45, $0x0;
	v48 =	vld [tilespmem:s22+$0xFFFFFE40];
	[tilespmem:v52+s17+$0x0] =	vst.idx.msk $0xffff, v50;
	s22 =	sadd.s32 $0x200, s22  }
0xc5: {  	v40 =	vshll.u32 v40, v1;
	v45 =	vbroadcast v47, $0x0;
	v47 =	vld [tilespmem:s22+$0xFFFFFFD0];
	v50 =	vadd.s32 v29, v41;
	[tilespmem:v35+s17+$0x0] =	vst.idx.msk $0xffff, v56  }
0xc6: {  	v55 =	vbroadcast v40, $0x0;
	v52 =	vadd.s32 v0, v33;
	v35 =	vshll.u32 v42, v1;
	v51 =	vld [tilespmem:s22+$0xFFFFFE10];
	[tilespmem:v34+s17+$0x0] =	vst.idx.msk $0xffff, v54  }
0xc7: {  	v42 =	vadd.s32 v5, v45;
	v35 =	vbroadcast v35, $0x0;
	v34 =	vshll.u32 v44, v1;
	v40 =	vld [tilespmem:s22+$0xFFFFFE50];
	[tilespmem:v37+s17+$0x0] =	vst.idx.msk $0xffff, v43  }
0xc8: {  	v44 =	vadd.s32 v9, v55;
	v34 =	vbroadcast v34, $0x0;
	v37 =	vshrl.u32 v38, $0x3;
	v43 =	vld [tilespmem:s22+$0xFFFFFE90];
	[tilespmem:v36+s17+$0x0] =	vst.idx.msk $0xffff, v46  }
0xc9: {  	v39 =	vshrl.u32 v39, $0x3;
	v46 =	vadd.s32 v13, v35;
	v36 =	vshll.u32 v37, v1;
	v38 =	vld [tilespmem:s22+$0xFFFFFED0];
	[tilespmem:v49+s17+$0x0] =	vst.idx.msk $0xffff, v48  }
0xca: {  	v49 =	vadd.s32 v17, v34;
	v37 =	vbroadcast v36, $0x0;
	v36 =	vshll.u32 v39, v1;
	v48 =	vld [tilespmem:s22+$0xFFFFFF10];
	[tilespmem:v50+s17+$0x0] =	vst.idx.msk $0xffff, v47  }
0xcb: {  	v36 =	vbroadcast v36, $0x0;
	v47 =	vadd.s32 v30, v41;
	[tilespmem:v52+s17+$0x0] =	vst.idx.msk $0xffff, v51;
	v39 =	vld [tilespmem:s22+$0xFFFFFFE0]  }
0xcc: {  	[tilespmem:v42+s17+$0x0] =	vst.idx.msk $0xffff, v40;
	v40 =	vld [tilespmem:s22+$0xFFFFFF50];
	v42 =	vadd.s32 v21, v37  }
0xcd: {  	[tilespmem:v44+s17+$0x0] =	vst.idx.msk $0xffff, v43;
	v43 =	vld [tilespmem:s22+$0xFFFFFF90];
	v44 =	vadd.s32 v25, v36  }
0xce: {  	v51 =	vadd.s32 v6, v45;
	v50 =	vld [tilespmem:s22+$0xFFFFFE60];
	[tilespmem:v46+s17+$0x0] =	vst.idx.msk $0xffff, v38  }
0xcf: {  	v46 =	vadd.s32 v10, v55;
	v38 =	vld [tilespmem:s22+$0xFFFFFEA0];
	[tilespmem:v49+s17+$0x0] =	vst.idx.msk $0xffff, v48  }
0xd0: {  	v49 =	vadd.s32 v14, v35;
	v48 =	vld [tilespmem:s22+$0xFFFFFEE0];
	[tilespmem:v47+s17+$0x0] =	vst.idx.msk $0xffff, v39  }
0xd1: {  	[tilespmem:v42+s17+$0x0] =	vst.idx.msk $0xffff, v40;
	v39 =	vld [tilespmem:s22+$0xFFFFFFF0];
	v40 =	vadd.s32 v31, v41  }
0xd2: {  	v47 =	vadd.s32 v18, v34;
	v42 =	vld [tilespmem:s22+$0xFFFFFF20];
	[tilespmem:v44+s17+$0x0] =	vst.idx.msk $0xffff, v43  }
0xd3: {  	v44 =	vadd.s32 v22, v37;
	[tilespmem:v51+s17+$0x0] =	vst.idx.msk $0xffff, v50;
	v43 =	vld [tilespmem:s22+$0xFFFFFF60]  }
0xd4: {  	[tilespmem:v46+s17+$0x0] =	vst.idx.msk $0xffff, v38;
	v38 =	vld [tilespmem:s22+$0xFFFFFFA0];
	v46 =	vadd.s32 v26, v36  }
0xd5: {  	v51 =	vadd.s32 v2, v33;
	v50 =	vld [tilespmem:s22+$0xFFFFFE20];
	[tilespmem:v49+s17+$0x0] =	vst.idx.msk $0xffff, v48  }
0xd6: {  	v49 =	vadd.s32 v7, v45;
	v48 =	vld [tilespmem:s22+$0xFFFFFE70];
	[tilespmem:v40+s17+$0x0] =	vst.idx.msk $0xffff, v39  }
0xd7: {  	[tilespmem:v47+s17+$0x0] =	vst.idx.msk $0xffff, v42;
	v39 =	vld [tilespmem:s22+$0x0];
	v47 =	vadd.s32 v32, v41  }
0xd8: {  	v56 =	vadd.s32 v11, v55;
	v52 =	vld [tilespmem:s22+$0xFFFFFEB0];
	[tilespmem:v44+s17+$0x0] =	vst.idx.msk $0xffff, v43  }
0xd9: {  	v58 =	vadd.s32 v15, v35;
	v57 =	vld [tilespmem:s22+$0xFFFFFEF0];
	[tilespmem:v46+s17+$0x0] =	vst.idx.msk $0xffff, v38  }
0xda: {  	v60 =	vadd.s32 v19, v34;
	[tilespmem:v51+s17+$0x0] =	vst.idx.msk $0xffff, v50;
	v59 =	vld [tilespmem:s22+$0xFFFFFF30]  }
.Ltmp5:
0xdb: {  	s24 =	sadd.s32 $0x1, s23;
	v41 =	vadd.s32 v23, v37;
	v38 =	vmov s23;
	[tilespmem:v49+s17+$0x0] =	vst.idx.msk $0xffff, v48;
	v40 =	vld [tilespmem:s22+$0xFFFFFF70];
	(pc) =	sbr.rel @p0 .LBB2_11-.Ltmp5, $4  }
0xdc: {  	s25 =	sadd.s32 $0x3, s23;
	v53 =	vmov s24;
	s24 =	sadd.s32 $0x2, s23;
	v43 =	vadd.s32 v27, v36;
	v50 =	vshrl.u32 v38, $0x3;
	v42 =	vld [tilespmem:s22+$0xFFFFFFB0];
	[tilespmem:v47+s17+$0x0] =	vst.idx.msk $0xffff, v39  }
0xdd: {  	v54 =	vmov s24;
	s24 =	sadd.s32 $0x4, s23;
	v44 =	vmov s25;
	s25 =	sadd.s32 $0x5, s23;
	v48 =	vadd.s32 v3, v33;
	v46 =	vld [tilespmem:s22+$0xFFFFFE30];
	[tilespmem:v56+s17+$0x0] =	vst.idx.msk $0xffff, v52  }
0xde: {  	v38 =	vmov s25;
	v51 =	vadd.s32 v8, v45;
	v47 =	vmov s24;
	s24 =	sadd.s32 $0x6, s23;
	v49 =	vld [tilespmem:s22+$0xFFFFFE80];
	[tilespmem:v58+s17+$0x0] =	vst.idx.msk $0xffff, v57  }
0xdf: {  	v45 =	vshll.u32 v50, v1;
	v39 =	vmov s24;
	s24 =	sadd.s32 $0x7, s23;
	s23 =	sadd.s32 $0x8, s23;
	v52 =	vadd.s32 v12, v55;
	v50 =	vld [tilespmem:s22+$0xFFFFFEC0];
	[tilespmem:v60+s17+$0x0] =	vst.idx.msk $0xffff, v59  }
0xe0: {  	_ =	sdelay $0x2  }
0xe1: {  	v53 =	vshrl.u32 v53, $0x3  }
0xe2: {  	v55 =	vmov s24;
	v56 =	vld [tilespmem:s22+$0xFFFFFF00];
	v35 =	vadd.s32 v16, v35;
	[tilespmem:v41+s17+$0x0] =	vst.idx.msk $0xffff, v40;
	v57 =	vshrl.u32 v54, $0x3  }
0xe3: {  	v59 =	vld [tilespmem:s22+$0xFFFFFF40];
	v34 =	vadd.s32 v20, v34;
	v60 =	vshrl.u32 v44, $0x3;
	v58 =	vshrl.u32 v55, $0x3;
	[tilespmem:v43+s17+$0x0] =	vst.idx.msk $0xffff, v42  }
0xe4: {  	v37 =	vadd.s32 v24, v37;
	v62 =	vshrl.u32 v47, $0x3;
	v61 =	vld [tilespmem:s22+$0xFFFFFF80];
	v41 =	vshll.u32 v58, v1;
	[tilespmem:v48+s17+$0x0] =	vst.idx.msk $0xffff, v46  }
0xe5: {  	v36 =	vadd.s32 v28, v36;
	v45 =	vbroadcast v45, $0x0;
	v63 =	vld [tilespmem:s22+$0xFFFFFFC0];
	v41 =	vbroadcast v41, $0x0;
	[tilespmem:v51+s17+$0x0] =	vst.idx.msk $0xffff, v49  }
0xe6: {  	v33 =	vadd.s32 v4, v33;
	s31 =	sadd.s32 $0x200, s22;
	v38 =	vshrl.u32 v38, $0x3;
	v55 =	vshll.u32 v53, v1;
	v48 =	vld [tilespmem:s22+$0xFFFFFE40];
	[tilespmem:v52+s17+$0x0] =	vst.idx.msk $0xffff, v50  }
0xe7: {  	v40 =	vshll.u32 v57, v1;
	v47 =	vbroadcast v55, $0x0;
	v49 =	vld [tilespmem:s31+$0xFFFFFFD0];
	v50 =	vadd.s32 v29, v41;
	[tilespmem:v35+s17+$0x0] =	vst.idx.msk $0xffff, v56  }
0xe8: {  	v42 =	vshll.u32 v60, v1;
	v40 =	vbroadcast v40, $0x0;
	v35 =	vld [tilespmem:s31+$0xFFFFFE10];
	v56 =	vadd.s32 v0, v45;
	[tilespmem:v34+s17+$0x0] =	vst.idx.msk $0xffff, v59  }
0xe9: {  	v57 =	vld [tilespmem:s31+$0xFFFFFE50];
	v44 =	vshll.u32 v62, v1;
	v42 =	vbroadcast v42, $0x0;
	v58 =	vadd.s32 v5, v47;
	[tilespmem:v37+s17+$0x0] =	vst.idx.msk $0xffff, v61  }
0xea: {  	v38 =	vshll.u32 v38, v1;
	v44 =	vbroadcast v44, $0x0;
	v60 =	vadd.s32 v9, v40;
	v59 =	vld [tilespmem:s31+$0xFFFFFE90];
	[tilespmem:v36+s17+$0x0] =	vst.idx.msk $0xffff, v63  }
0xeb: {  	v38 =	vbroadcast v38, $0x0;
	v62 =	vadd.s32 v13, v42;
	v61 =	vld [tilespmem:s31+$0xFFFFFED0];
	[tilespmem:v33+s17+$0x0] =	vst.idx.msk $0xffff, v48  }
0xec: {  	v39 =	vshrl.u32 v39, $0x3;
	v63 =	vadd.s32 v17, v44;
	v33 =	vld [tilespmem:s31+$0xFFFFFF10];
	[tilespmem:v50+s17+$0x0] =	vst.idx.msk $0xffff, v49  }
0xed: {  	v39 =	vshll.u32 v39, v1;
	v34 =	vld [tilespmem:s31+$0xFFFFFF50];
	[tilespmem:v56+s17+$0x0] =	vst.idx.msk $0xffff, v35;
	v56 =	vadd.s32 v21, v38  }
0xee: {  	[tilespmem:v58+s17+$0x0] =	vst.idx.msk $0xffff, v57;
	v35 =	vbroadcast v39, $0x0;
	v49 =	vadd.s32 v30, v41;
	v39 =	vld [tilespmem:s31+$0xFFFFFFE0]  }
0xef: {  	[tilespmem:v60+s17+$0x0] =	vst.idx.msk $0xffff, v59;
	v59 =	vld [tilespmem:s31+$0xFFFFFE60];
	v60 =	vadd.s32 v6, v47  }
0xf0: {  	v57 =	vld [tilespmem:s31+$0xFFFFFF90];
	[tilespmem:v62+s17+$0x0] =	vst.idx.msk $0xffff, v61;
	v58 =	vadd.s32 v25, v35  }
0xf1: {  	v61 =	vld [tilespmem:s31+$0xFFFFFEA0];
	v62 =	vadd.s32 v10, v40;
	[tilespmem:v63+s17+$0x0] =	vst.idx.msk $0xffff, v33  }
0xf2: {  	v33 =	vld [tilespmem:s31+$0xFFFFFEE0];
	v63 =	vadd.s32 v14, v42;
	[tilespmem:v56+s17+$0x0] =	vst.idx.msk $0xffff, v34  }
0xf3: {  	v56 =	vadd.s32 v18, v44;
	[tilespmem:v49+s17+$0x0] =	vst.idx.msk $0xffff, v39;
	v49 =	vld [tilespmem:s31+$0xFFFFFF20]  }
0xf4: {  	[tilespmem:v60+s17+$0x0] =	vst.idx.msk $0xffff, v59;
	v39 =	vadd.s32 v31, v41;
	v34 =	vld [tilespmem:s31+$0xFFFFFFF0]  }
0xf5: {  	[tilespmem:v58+s17+$0x0] =	vst.idx.msk $0xffff, v57;
	v57 =	vld [tilespmem:s31+$0xFFFFFF60];
	v58 =	vadd.s32 v22, v38  }
0xf6: {  	[tilespmem:v62+s17+$0x0] =	vst.idx.msk $0xffff, v61;
	v61 =	vld [tilespmem:s31+$0xFFFFFE20];
	v62 =	vadd.s32 v2, v45  }
0xf7: {  	v60 =	vadd.s32 v26, v35;
	v59 =	vld [tilespmem:s31+$0xFFFFFFA0];
	[tilespmem:v63+s17+$0x0] =	vst.idx.msk $0xffff, v33  }
0xf8: {  	v55 =	vadd.s32 v11, v40;
	v54 =	vadd.s32 v32, v41;
	v41 =	vld [tilespmem:s31+$0xFFFFFEB0];
	[tilespmem:v56+s17+$0x0] =	vst.idx.msk $0xffff, v49  }
0xf9: {  	v53 =	vadd.s32 v7, v47;
	v63 =	vld [tilespmem:s31+$0xFFFFFE70];
	[tilespmem:v39+s17+$0x0] =	vst.idx.msk $0xffff, v34  }
0xfa: {  	v56 =	vld [tilespmem:s31+$0xFFFFFEF0];
	[tilespmem:v58+s17+$0x0] =	vst.idx.msk $0xffff, v57;
	v57 =	vadd.s32 v15, v42  }
0xfb: {  	[tilespmem:v62+s17+$0x0] =	vst.idx.msk $0xffff, v61;
	v34 =	vld [tilespmem:s31+$0x0]  }
0xfc: {  	v58 =	vld [tilespmem:s31+$0xFFFFFF30];
	[tilespmem:v60+s17+$0x0] =	vst.idx.msk $0xffff, v59;
	v59 =	vadd.s32 v19, v44  }
0xfd: {  	v61 =	vadd.s32 v23, v38;
	[tilespmem:v55+s17+$0x0] =	vst.idx.msk $0xffff, v41;
	v60 =	vld [tilespmem:s31+$0xFFFFFF70]  }
0xfe: {  	[tilespmem:v53+s17+$0x0] =	vst.idx.msk $0xffff, v63;
	v63 =	vadd.s32 v27, v35;
	v62 =	vld [tilespmem:s31+$0xFFFFFFB0]  }
0xff: {  	v47 =	vadd.s32 v8, v47;
	v55 =	vld [tilespmem:s31+$0xFFFFFE80];
	[tilespmem:v57+s17+$0x0] =	vst.idx.msk $0xffff, v56  }
0x100: {  	v53 =	vld [tilespmem:s31+$0xFFFFFE30];
	[tilespmem:v54+s17+$0x0] =	vst.idx.msk $0xffff, v34;
	v54 =	vadd.s32 v3, v45  }
0x101: {  	v40 =	vadd.s32 v12, v40;
	v56 =	vld [tilespmem:s31+$0xFFFFFEC0];
	[tilespmem:v59+s17+$0x0] =	vst.idx.msk $0xffff, v58  }
0x102: {  	v42 =	vadd.s32 v16, v42;
	v57 =	vld [tilespmem:s31+$0xFFFFFF00];
	[tilespmem:v61+s17+$0x0] =	vst.idx.msk $0xffff, v60  }
0x103: {  	v59 =	vadd.s32 v20, v44;
	v58 =	vld [tilespmem:s31+$0xFFFFFF40];
	[tilespmem:v63+s17+$0x0] =	vst.idx.msk $0xffff, v62  }
0x104: {  	v38 =	vadd.s32 v24, v38;
	v60 =	vld [tilespmem:s31+$0xFFFFFF80];
	[tilespmem:v47+s17+$0x0] =	vst.idx.msk $0xffff, v55  }
0x105: {  	v35 =	vadd.s32 v28, v35;
	v61 =	vld [tilespmem:s31+$0xFFFFFFC0];
	[tilespmem:v54+s17+$0x0] =	vst.idx.msk $0xffff, v53  }
0x106: {  	v63 =	vadd.s32 v4, v45;
	[tilespmem:v40+s17+$0x0] =	vst.idx.msk $0xffff, v56;
	v62 =	vld [tilespmem:s31+$0xFFFFFE40]  }
0x107: {  	s21 =	sshll.u32 s21, $0x12;
	[tilespmem:v42+s17+$0x0] =	vst.idx.msk $0xffff, v57  }
0x108: {  	s21 =	sor.u32 s3, s21;
	[tilespmem:v59+s17+$0x0] =	vst.idx.msk $0xffff, v58  }
0x109: {  	s21 =	sshrl.u32 s21, $0x3;
	[tilespmem:v38+s17+$0x0] =	vst.idx.msk $0xffff, v60  }
0x10a: {  	s23 =	simm.s32 $0x200;
	s21 =	sadd.s32 s5, s21;
	[tilespmem:v35+s17+$0x0] =	vst.idx.msk $0xffff, v61  }
0x10b: {  	s24 =	simm.s32 $0xC688;
	s22 =	simm.s32 $0xC600;
	s25 =	sadd.s32 $0x0, s21;
	[tilespmem:v63+s17+$0x0] =	vst.idx.msk $0xffff, v62  }
.LBB2_13:
0x10c: {  	[hbm4b:s25+s1] =	stream.linear.scatter [tilespmem:s22], [sflag:$0x4], $0x80, $0x38;
	[tilespmem:$0xE800] =	vst v63  }
0x10d: {  	s25 =	smov.u32 s23;
	s22 =	smov.u32 s24;
	p0 =	sne.s32 s23, $0x7E00  }
.Ltmp6:
0x10e: {  	s23 =	sadd.s32 $0x200, s23;
	(pc) =	sbr.rel @p0 .LBB2_13-.Ltmp6, $2  }
0x10f: {  	_ =	sdelay $0x2  }
0x110: {  	s24 =	sadd.s32 $0x88, s24;
	s25 =	sadd.s32 s25, s21  }
0x111: {  	s20 =	sadd.s32 $0x1, s20  }
0x112: {  	p0 =	sne.s32 s20, $0x64  }
.Ltmp7:
0x113: {  	_ = 	snop;
	(pc) =	sbr.rel @p0 .LBB2_2-.Ltmp7, $2  }
0x114: {  	_ =	sdelay $0x2  }
0x115: {  	[hbm4b:s25+s1] =	stream.linear.scatter [tilespmem:s22], [sflag:$0x4], $0x80, $0x38;
	[tilespmem:$0xE800] =	vst v63  }
0x116: {  	s19 =	sadd.s32 $0x1, s19  }
0x117: {  	_ =	swait.ge [sflag:s18], $0x2000;
	p0 =	sne.s32 s19, s7  }
.Ltmp8:
0x118: {  	[sflag:s18] =	ssyncset.done $0x0;
	(pc) =	sbr.rel @p0 .LBB2_1-.Ltmp8, $4  }
0x119: {  	[sflag:s18] =	ssyncadd.s32 $0xFFFFE000  }
0x11a: {  	_ =	swait.ge [sflag:s16], $0x2000  }
0x11b: {  	[sflag:s16] =	ssyncset.done $0x0  }
0x11c: {  	[sflag:s16] =	ssyncadd.s32 $0xFFFFE000  }
0x11d: {  	_ =	sfence.sel $0x180000  }
0x11e: {  	[bflag:$0x0] =	sbarrier.arrive $0xFFFF  }
0x11f: {  	p0 =	sne.s32 s2, $0x0;
	_ =	strace $0x90000047  }
0x120: {  	s0 =	sadd.s32 @!p0 $0x100000, s0;
	[bflag:$0x2] =	sbarrier.arrive $0xFFFF  }
0x121: {  	[sflag:s0] =	ssyncadd.tile.s32 @!p0 $0x1;
	_ =	shalt  }
.Lfunc_end2:
_tile_overlayer_lowered:
.L_overlay_start_2:
0x122: {  	(tag) =	ssettag $0x2  }
0x123: {  	s0 =	rddreg [dreg:$0x0];
	s2 =	stileid.u32  }
0x124: {  	s1 =	rddreg [dreg:$0x1];
	p0 =	sne.s32 s2, $0x0  }
0x125: {  	s3 =	rddreg [dreg:$0x2];
	[bflag:$0x3] =	sbarrier.arrive $0xFFFF;
	s2 =	simm.s32 @!p0 $0x1C05  }
0x126: {  	[timem:s3], [sflag:s2] =	dma.local @!p0 [hbm:s0], s1  }
0x127: {  	s0 =	simm.s32 @!p0 $0x5  }
0x128: {  	_ =	swait.ge @!p0 [sflag:s0], s1  }
0x129: {  	s1 =	ssub.s32 @!p0 $0x0, s1;
	[sflag:s0] =	ssyncset.done @!p0 $0x0  }
0x12a: {  	[sflag:s0] =	ssyncadd.s32 @!p0 s1  }
0x12b: {  	[bflag:$0x3] =	sbarrier.arrive $0xFFFF  }
0x12c: {  	_ =	shalt  }

</sc_bundles>
